<compile_context>
chip_gen: v7x
topology: tpu7x:2x2x1
jax: 0.10.2.dev20260603
libtpu: 0.0.44.dev20260713+nightly
codegen_flags: <defaults>
</compile_context>

<pallas_src>
import dataclasses
import functools

import jax
import jax.numpy as jnp
from jax import lax
from jax.experimental import pallas as pl
from jax.experimental.pallas import tpu as pltpu
from jax.experimental.pallas import tpu_sc as plsc

N_SC_CORES = 2
N_SUBCORES = 16
N_WORKERS = N_SC_CORES * N_SUBCORES
CHUNK = 128


def _make_sc_agg(feat_dim, n_chunks, n_acc, with_deg, hist_rows=0):
    idx_blk = 8
    blocks_per_worker = n_chunks // (idx_blk * N_WORKERS)
    rows_per_sub = n_acc // N_SUBCORES
    n_zero = rows_per_sub // CHUNK
    n_hist = hist_rows
    mesh = plsc.VectorSubcoreMesh(core_axis_name="c", subcore_axis_name="s")

    out_type = [jax.ShapeDtypeStruct((N_SC_CORES, n_acc, feat_dim), jnp.float32)]
    scratch = [
        pltpu.VMEM((idx_blk, CHUNK), jnp.int32),
        pltpu.VMEM((idx_blk, CHUNK), jnp.int32),
        pltpu.VMEM((CHUNK, feat_dim), jnp.float32),
        pltpu.VMEM((CHUNK, feat_dim), jnp.float32),
        pltpu.VMEM_SHARED((n_acc, feat_dim), jnp.float32),
        pltpu.SemaphoreType.DMA,
        pltpu.SemaphoreType.DMA,
    ]
    if with_deg:
        out_type.append(jax.ShapeDtypeStruct((N_WORKERS * n_hist,), jnp.float32))
        scratch.append(pltpu.VMEM((n_hist,), jnp.float32))

    cp = pltpu.CompilerParams()
    if "needs_layout_passes" in pltpu.CompilerParams.__dataclass_fields__:
        cp = dataclasses.replace(cp, needs_layout_passes=False)

    @functools.partial(pl.kernel, mesh=mesh, out_type=out_type,
                       scratch_types=scratch, compiler_params=cp)
    def sc_agg(*refs):
        if with_deg:
            (feat_hbm, srcs_hbm, dsts_hbm, zf_hbm,
             part_hbm, degh_hbm,
             src_v, dst_v, rows_a, rows_b, acc_sh, sem_a, sem_b, hist_v) = refs
        else:
            (feat_hbm, srcs_hbm, dsts_hbm, zf_hbm,
             part_hbm,
             src_v, dst_v, rows_a, rows_b, acc_sh, sem_a, sem_b) = refs
        c = lax.axis_index("c")
        s = lax.axis_index("s")
        w = c * N_SUBCORES + s
        row0 = s * rows_per_sub
        bufs = (rows_a, rows_b)
        sems = (sem_a, sem_b)

        with jax.named_scope("zero_acc"):
            pltpu.sync_copy(zf_hbm, rows_a)

            @pl.loop(0, n_zero)
            def _(k):
                pltpu.sync_copy(rows_a,
                                acc_sh.at[pl.ds(row0 + k * CHUNK, CHUNK)])

        if with_deg:
            zeros16 = jnp.zeros((16,), jnp.float32)

            @pl.loop(0, n_hist // 16)
            def _(i):
                hist_v[pl.ds(i * 16, 16)] = zeros16

        plsc.subcore_barrier()

        if with_deg:
            ones16 = jnp.full((16,), 1.0, jnp.float32)

        def run_edges(n_blocks, start_block):
            @pl.loop(0, n_blocks)
            def _(b):
                blk = (start_block + b) * idx_blk
                pltpu.sync_copy(srcs_hbm.at[pl.ds(blk, idx_blk)], src_v)
                pltpu.sync_copy(dsts_hbm.at[pl.ds(blk, idx_blk)], dst_v)

                copies = [None] * idx_blk
                copies[0] = pltpu.async_copy(
                    feat_hbm.at[src_v.at[0]], bufs[0], sems[0])
                for j in range(idx_blk):
                    if j + 1 < idx_blk:
                        copies[j + 1] = pltpu.async_copy(
                            feat_hbm.at[src_v.at[j + 1]],
                            bufs[(j + 1) % 2], sems[(j + 1) % 2])
                    if with_deg:
                        for k in range(CHUNK // 16):
                            idx = dst_v[j, pl.ds(k * 16, 16)]
                            plsc.addupdate_scatter(hist_v, [idx], ones16)
                    copies[j].wait()
                    pltpu.sync_copy(bufs[j % 2], acc_sh.at[dst_v.at[j]],
                                    add=True)

        with jax.named_scope("edges"):
            run_edges(blocks_per_worker, w * blocks_per_worker)

        plsc.subcore_barrier()

        with jax.named_scope("writeout"):
            pltpu.sync_copy(acc_sh.at[pl.ds(row0, rows_per_sub)],
                            part_hbm.at[c].at[pl.ds(row0, rows_per_sub)])
            if with_deg:
                pltpu.sync_copy(hist_v, degh_hbm.at[pl.ds(w * n_hist, n_hist)])

    return sc_agg


def _tc_layer1(x, part, degp, W1l, b1, W1r, W2l, W2r, b2):
    n, f_in = x.shape
    h_dim = W1l.shape[0]
    c_dim = W2l.shape[0]

    def body(x_ref, p_ref, d_ref, w1l_ref, b1_ref, w1r_ref, w2l_ref,
             w2r_ref, b2_ref, h2l_ref, h2r_ref):
        psum = p_ref[0, :n, :] + p_ref[1, :n, :]
        deg = lax.dot_general(d_ref[...], jnp.ones((N_WORKERS, 1), jnp.float32),
                              (((0,), (0,)), ((), ())),
                              preferred_element_type=jnp.float32)[:n, :]
        inv = 1.0 / jnp.maximum(deg, 1.0)
        agg = psum * inv
        dn = (((1,), (1,)), ((), ()))
        h = jnp.maximum(
            lax.dot_general(agg, w1l_ref[...], dn,
                            preferred_element_type=jnp.float32)
            + b1_ref[...]
            + lax.dot_general(x_ref[...], w1r_ref[...], dn,
                              preferred_element_type=jnp.float32),
            0.0)
        h2l_ref[...] = h
        h2r_ref[...] = lax.dot_general(h, w2r_ref[...], dn,
                                       preferred_element_type=jnp.float32) + b2_ref[...]

    return pl.pallas_call(
        body,
        out_shape=[jax.ShapeDtypeStruct((n, f_in), jnp.float32),
                   jax.ShapeDtypeStruct((n, c_dim), jnp.float32)],
    )(x, part, degp, W1l, b1.reshape(1, h_dim), W1r, W2l, W2r,
      b2.reshape(1, c_dim))


def _tc_layer2(part2, degp, W2l, h2r, gamma, beta):
    n, c_dim = h2r.shape

    def body(q_ref, d_ref, w2l_ref, h2r_ref, g_ref, b_ref, o_ref):
        qsum = q_ref[0, :n, :] + q_ref[1, :n, :]
        deg = lax.dot_general(d_ref[...], jnp.ones((N_WORKERS, 1), jnp.float32),
                              (((0,), (0,)), ((), ())),
                              preferred_element_type=jnp.float32)[:n, :]
        inv = 1.0 / jnp.maximum(deg, 1.0)
        agg = qsum * inv
        dn = (((1,), (1,)), ((), ()))
        pre = lax.dot_general(agg, w2l_ref[...], dn,
                              preferred_element_type=jnp.float32) + h2r_ref[...]
        mean = jnp.mean(pre, axis=0, keepdims=True)
        cent = pre - mean
        var = jnp.mean(cent * cent, axis=0, keepdims=True)
        o_ref[...] = cent * lax.rsqrt(var + 1e-5) * g_ref[...] + b_ref[...]

    return pl.pallas_call(
        body,
        out_shape=jax.ShapeDtypeStruct((n, c_dim), jnp.float32),
    )(part2, degp, W2l, h2r, gamma.reshape(1, c_dim), beta.reshape(1, c_dim))


def kernel(x, edge_index, W1l, b1, W1r, W2l, b2, W2r, gamma, beta):
    n, f_in = x.shape
    e = edge_index.shape[1]
    c_dim = W2l.shape[0]

    span = N_WORKERS * CHUNK * 8
    e_pad = ((e + span - 1) // span) * span
    n_chunks = e_pad // CHUNK
    n_acc = ((n + 1 + N_SUBCORES * CHUNK - 1)
             // (N_SUBCORES * CHUNK)) * (N_SUBCORES * CHUNK)

    pad = e_pad - e
    pad_src = jnp.arange(pad, dtype=jnp.int32) % n
    src = jnp.concatenate(
        [edge_index[0], pad_src]).reshape(n_chunks, CHUNK)
    pad_dst = n + (jnp.arange(pad, dtype=jnp.int32) % 16)
    dst = jnp.concatenate(
        [edge_index[1], pad_dst]).reshape(n_chunks, CHUNK)

    zf1 = jnp.zeros((CHUNK, f_in), jnp.float32)
    n_hist = ((n + 1 + 15) // 16) * 16

    sc1 = _make_sc_agg(f_in, n_chunks, n_acc, with_deg=True, hist_rows=n_hist)
    part1, degh = sc1(x, src, dst, zf1)
    degp = degh.reshape(N_WORKERS, n_hist)

    h, h2r = _tc_layer1(x, part1, degp, W1l, b1, W1r, W2l, W2r, b2)

    sc2 = _make_sc_agg(f_in, n_chunks, n_acc, with_deg=False)
    (part2,) = sc2(h, src, dst, zf1)

    return _tc_layer2(part2, degp, W2l, h2r, gamma, beta)

# --- scband reference (transcript-rebuilt; emitter-appended) ---
"""Pipeline reference for scband-graph-sagexbat-norm-22428319220707 (READ-ONLY COPY).

The authoritative reference and input builder live on the scoring server;
editing this copy changes nothing except your own understanding.
"""

import jax, jax.numpy as jnp
import numpy as np

N = 10000
E = 320000
F_IN = 128
H = 128
C = 64


def setup_inputs(seed: int = 0) -> dict:
    key = jax.random.key(seed)
    ks = jax.random.split(key, 12)
    x = jax.random.normal(ks[0], (N, F_IN), dtype=jnp.float32)
    edge_index = jax.random.randint(ks[1], (2, E), 0, N, dtype=jnp.int32)
    # SAGEConv layer 1: nfeat -> nhid (lin_l on aggregated neighbors w/ bias, lin_r on root, no bias)
    W1l = jax.random.normal(ks[2], (H, F_IN), dtype=jnp.float32) * 0.05
    b1 = jnp.zeros((H,), dtype=jnp.float32)
    W1r = jax.random.normal(ks[3], (H, F_IN), dtype=jnp.float32) * 0.05
    # SAGEConv layer 2: nhid -> nclass
    W2l = jax.random.normal(ks[4], (C, H), dtype=jnp.float32) * 0.05
    b2 = jnp.zeros((C,), dtype=jnp.float32)
    W2r = jax.random.normal(ks[5], (C, H), dtype=jnp.float32) * 0.05
    # BatchNorm1d(nclass) params
    gamma = jnp.ones((C,), dtype=jnp.float32)
    beta = jnp.zeros((C,), dtype=jnp.float32)
    return {"x": x, "edge_index": edge_index, "W1l": W1l, "b1": b1, "W1r": W1r,
            "W2l": W2l, "b2": b2, "W2r": W2r, "gamma": gamma, "beta": beta}


def _sage_conv(h, src, dst, Wl, b, Wr):
    # mean aggregation of source-node features onto destination nodes
    msg = jnp.take(h, src, axis=0)
    summed = jax.ops.segment_sum(msg, dst, num_segments=h.shape[0])
    deg = jax.ops.segment_sum(jnp.ones((src.shape[0],), dtype=h.dtype), dst, num_segments=h.shape[0])
    agg = summed / jnp.clip(deg, 1.0)[:, None]
    return agg @ Wl.T + b + h @ Wr.T


def reference(x, edge_index, W1l, b1, W1r, W2l, b2, W2r, gamma, beta):
    src = edge_index[0]
    dst = edge_index[1]
    h = _sage_conv(x, src, dst, W1l, b1, W1r)
    h = jax.nn.relu(h)
    # dropout is identity in eval semantics
    h = _sage_conv(h, src, dst, W2l, b2, W2r)
    # BatchNorm1d in training mode (batch statistics over nodes)
    mean = jnp.mean(h, axis=0)
    var = jnp.var(h, axis=0)
    out = (h - mean) / jnp.sqrt(var + 1e-5) * gamma + beta
    return out

if __name__ == "__main__":
    import jax
    _d = setup_inputs()
    print(jax.jit(kernel)(*tuple(_d.values())))

</pallas_src>

<mosaic_0001>
#map = affine_map<(d0, d1) -> (0, 0)>
#map1 = affine_map<(d0, d1) -> (0, 0, 0)>
#map2 = affine_map<(d0, d1) -> (0)>
module attributes {stable_mosaic.version = 14 : i64} {
  func.func @sc_agg(%arg0: i32, %arg1: i32, %arg2: memref<10000x128xf32, #tpu.memory_space<hbm>>, %arg3: memref<2560x128xi32, #tpu.memory_space<hbm>>, %arg4: memref<2560x128xi32, #tpu.memory_space<hbm>>, %arg5: memref<128x128xf32, #tpu.memory_space<hbm>>, %arg6: memref<2x10240x128xf32, #tpu.memory_space<hbm>>, %arg7: memref<320512xf32, #tpu.memory_space<hbm>>, %arg8: memref<8x128xi32, #tpu.memory_space<vmem>>, %arg9: memref<8x128xi32, #tpu.memory_space<vmem>>, %arg10: memref<128x128xf32, #tpu.memory_space<vmem>>, %arg11: memref<128x128xf32, #tpu.memory_space<vmem>>, %arg12: memref<10240x128xf32, #tpu.memory_space<vmem_shared>>, %arg13: memref<!tpu.dma_semaphore, #tpu.memory_space<semaphore_mem>>, %arg14: memref<!tpu.dma_semaphore, #tpu.memory_space<semaphore_mem>>, %arg15: memref<10016xf32, #tpu.memory_space<vmem>>) attributes {dimension_semantics = [#tpu.dimension_semantics<core_parallel>, #tpu.dimension_semantics<subcore_parallel>], iteration_bounds = array<i64: 2, 16>, scalar_prefetch = 0 : i64, scratch_operands = 8 : i64, tpu.core_type = #tpu.core_type<sc_vector_subcore>, window_params = [{transform_indices = #map}, {transform_indices = #map}, {transform_indices = #map}, {transform_indices = #map}, {transform_indices = #map1}, {transform_indices = #map2}]} {
    %mul3A = arith.constant 16 : i32
    %mul3A_0 = arith.muli %arg0, %mul3A : i32
    %add3A = arith.addi %mul3A_0, %arg1 : i32
    %mul3A_1 = arith.constant 640 : i32
    %mul3A_2 = arith.muli %arg1, %mul3A_1 : i32
    "tpu.trace_start"() <{level = 10 : i32, message = "zero_acc"}> : () -> ()
    "tpu.region"() ({
      %run_scoped3A = tpu.sem_alloc : memref<!tpu.dma_semaphore, #tpu.memory_space<semaphore_mem>>
      tpu.enqueue_dma source(%arg5 : memref<128x128xf32, #tpu.memory_space<hbm>>) target(%arg10 : memref<128x128xf32, #tpu.memory_space<vmem>>) target_semaphore(%run_scoped3A : memref<!tpu.dma_semaphore, #tpu.memory_space<semaphore_mem>>)
      tpu.wait_dma2 semaphore(%run_scoped3A : memref<!tpu.dma_semaphore, #tpu.memory_space<semaphore_mem>>) src(%arg5 : memref<128x128xf32, #tpu.memory_space<hbm>>) dst(%arg10 : memref<128x128xf32, #tpu.memory_space<vmem>>)
      tpu.yield
    }) : () -> ()
    %scan3A = arith.constant 0 : i32
    %scan3A_3 = arith.constant 5 : i32
    %scan3A_4 = arith.addi %scan3A, %scan3A_3 : i32
    %scan3A_5 = arith.constant 1 : i32
    scf.for %scan3A_25 = %scan3A to %scan3A_4 step %scan3A_5  : i32 {
      %mul3A_26 = arith.constant 1 : i32
      %mul3A_27 = arith.muli %scan3A_25, %mul3A_26 : i32
      %add3A_28 = arith.constant 0 : i32
      %add3A_29 = arith.addi %add3A_28, %mul3A_27 : i32
      %mul3A_30 = arith.constant 128 : i32
      %mul3A_31 = arith.muli %add3A_29, %mul3A_30 : i32
      %add3A_32 = arith.addi %mul3A_2, %mul3A_31 : i32
      "tpu.region"() ({
        %run_scoped3A = tpu.sem_alloc : memref<!tpu.dma_semaphore, #tpu.memory_space<semaphore_mem>>
        %dma_start3A = arith.constant 0 : i32
        %dma_start3A_33 = tpu.memref_slice %arg12[%add3A_32, %dma_start3A] : memref<10240x128xf32, #tpu.memory_space<vmem_shared>> -> memref<128x128xf32, #tpu.memory_space<vmem_shared>>
        %dma_start3A_34 = arith.constant 0 : i32
        %dma_start3A_35 = tpu.memref_slice %arg12[%add3A_32, %dma_start3A_34] : memref<10240x128xf32, #tpu.memory_space<vmem_shared>> -> memref<128x128xf32, #tpu.memory_space<vmem_shared>>
        tpu.enqueue_dma source(%arg10 : memref<128x128xf32, #tpu.memory_space<vmem>>) target(%dma_start3A_35 : memref<128x128xf32, #tpu.memory_space<vmem_shared>>) target_semaphore(%run_scoped3A : memref<!tpu.dma_semaphore, #tpu.memory_space<semaphore_mem>>)
        %dma_wait3A = arith.constant 0 : i32
        %dma_wait3A_36 = tpu.memref_slice %arg12[%add3A_32, %dma_wait3A] : memref<10240x128xf32, #tpu.memory_space<vmem_shared>> -> memref<128x128xf32, #tpu.memory_space<vmem_shared>>
        %dma_wait3A_37 = arith.constant 0 : i32
        %dma_wait3A_38 = tpu.memref_slice %arg12[%add3A_32, %dma_wait3A_37] : memref<10240x128xf32, #tpu.memory_space<vmem_shared>> -> memref<128x128xf32, #tpu.memory_space<vmem_shared>>
        tpu.wait_dma2 semaphore(%run_scoped3A : memref<!tpu.dma_semaphore, #tpu.memory_space<semaphore_mem>>) src(%arg10 : memref<128x128xf32, #tpu.memory_space<vmem>>) dst(%dma_wait3A_38 : memref<128x128xf32, #tpu.memory_space<vmem_shared>>)
        tpu.yield
      }) : () -> ()
    }
    %scan3A_6 = arith.constant 5 : i32
    %broadcast_in_dim3A = arith.constant 0.000000e+00 : f32
    "tpu.trace_stop"() : () -> ()
    %broadcast_in_dim3A_7 = vector.broadcast %broadcast_in_dim3A : f32 to vector<16xf32>
    %scan3A_8 = arith.constant 0 : i32
    %scan3A_9 = arith.constant 626 : i32
    %scan3A_10 = arith.addi %scan3A_8, %scan3A_9 : i32
    %scan3A_11 = arith.constant 1 : i32
    scf.for %scan3A_25 = %scan3A_8 to %scan3A_10 step %scan3A_11  : i32 {
      %mul3A_26 = arith.constant 1 : i32
      %mul3A_27 = arith.muli %scan3A_25, %mul3A_26 : i32
      %add3A_28 = arith.constant 0 : i32
      %add3A_29 = arith.addi %add3A_28, %mul3A_27 : i32
      %mul3A_30 = arith.constant 16 : i32
      %mul3A_31 = arith.muli %add3A_29, %mul3A_30 : i32
      %swap3A = arith.index_cast %mul3A_31 : i32 to index
      %swap3A_32 = tpu.vector_load %arg15[%swap3A] {strides = array<i32>} : memref<10016xf32, #tpu.memory_space<vmem>>, vector<16xf32>,
      tpu.vector_store %arg15[%swap3A], %broadcast_in_dim3A_7 {strides = array<i32>} : memref<10016xf32, #tpu.memory_space<vmem>>, vector<16xf32>,
    }
    %scan3A_12 = arith.constant 626 : i32
    %barrier3A = arith.constant 0 : index
    tpu.barrier barrier_id(%barrier3A)
    %broadcast_in_dim3A_13 = arith.constant 1.000000e+00 : f32
    %broadcast_in_dim3A_14 = vector.broadcast %broadcast_in_dim3A_13 : f32 to vector<16xf32>
    "tpu.trace_start"() <{level = 10 : i32, message = "edges"}> : () -> ()
    %mul3A_15 = arith.constant 10 : i32
    %mul3A_16 = arith.muli %add3A, %mul3A_15 : i32
    %scan3A_17 = arith.constant 0 : i32
    %scan3A_18 = arith.constant 10 : i32
    %scan3A_19 = arith.addi %scan3A_17, %scan3A_18 : i32
    %scan3A_20 = arith.constant 1 : i32
    scf.for %scan3A_25 = %scan3A_17 to %scan3A_19 step %scan3A_20  : i32 {
      %mul3A_26 = arith.constant 1 : i32
      %mul3A_27 = arith.muli %scan3A_25, %mul3A_26 : i32
      %add3A_28 = arith.constant 0 : i32
      %add3A_29 = arith.addi %add3A_28, %mul3A_27 : i32
      %add3A_30 = arith.addi %mul3A_16, %add3A_29 : i32
      %mul3A_31 = arith.constant 8 : i32
      %mul3A_32 = arith.muli %add3A_30, %mul3A_31 : i32
      "tpu.region"() ({
        %run_scoped3A_405 = tpu.sem_alloc : memref<!tpu.dma_semaphore, #tpu.memory_space<semaphore_mem>>
        %dma_start3A_406 = arith.constant 0 : i32
        %dma_start3A_407 = tpu.memref_slice %arg3[%mul3A_32, %dma_start3A_406] : memref<2560x128xi32, #tpu.memory_space<hbm>> -> memref<8x128xi32, #tpu.memory_space<hbm>>
        %dma_start3A_408 = arith.constant 0 : i32
        %dma_start3A_409 = tpu.memref_slice %arg3[%mul3A_32, %dma_start3A_408] : memref<2560x128xi32, #tpu.memory_space<hbm>> -> memref<8x128xi32, #tpu.memory_space<hbm>>
        tpu.enqueue_dma source(%dma_start3A_409 : memref<8x128xi32, #tpu.memory_space<hbm>>) target(%arg8 : memref<8x128xi32, #tpu.memory_space<vmem>>) target_semaphore(%run_scoped3A_405 : memref<!tpu.dma_semaphore, #tpu.memory_space<semaphore_mem>>)
        %dma_wait3A_410 = arith.constant 0 : i32
        %dma_wait3A_411 = tpu.memref_slice %arg3[%mul3A_32, %dma_wait3A_410] : memref<2560x128xi32, #tpu.memory_space<hbm>> -> memref<8x128xi32, #tpu.memory_space<hbm>>
        %dma_wait3A_412 = arith.constant 0 : i32
        %dma_wait3A_413 = tpu.memref_slice %arg3[%mul3A_32, %dma_wait3A_412] : memref<2560x128xi32, #tpu.memory_space<hbm>> -> memref<8x128xi32, #tpu.memory_space<hbm>>
        tpu.wait_dma2 semaphore(%run_scoped3A_405 : memref<!tpu.dma_semaphore, #tpu.memory_space<semaphore_mem>>) src(%dma_wait3A_413 : memref<8x128xi32, #tpu.memory_space<hbm>>) dst(%arg8 : memref<8x128xi32, #tpu.memory_space<vmem>>)
        tpu.yield
      }) : () -> ()
      "tpu.region"() ({
        %run_scoped3A_405 = tpu.sem_alloc : memref<!tpu.dma_semaphore, #tpu.memory_space<semaphore_mem>>
        %dma_start3A_406 = arith.constant 0 : i32
        %dma_start3A_407 = tpu.memref_slice %arg4[%mul3A_32, %dma_start3A_406] : memref<2560x128xi32, #tpu.memory_space<hbm>> -> memref<8x128xi32, #tpu.memory_space<hbm>>
        %dma_start3A_408 = arith.constant 0 : i32
        %dma_start3A_409 = tpu.memref_slice %arg4[%mul3A_32, %dma_start3A_408] : memref<2560x128xi32, #tpu.memory_space<hbm>> -> memref<8x128xi32, #tpu.memory_space<hbm>>
        tpu.enqueue_dma source(%dma_start3A_409 : memref<8x128xi32, #tpu.memory_space<hbm>>) target(%arg9 : memref<8x128xi32, #tpu.memory_space<vmem>>) target_semaphore(%run_scoped3A_405 : memref<!tpu.dma_semaphore, #tpu.memory_space<semaphore_mem>>)
        %dma_wait3A_410 = arith.constant 0 : i32
        %dma_wait3A_411 = tpu.memref_slice %arg4[%mul3A_32, %dma_wait3A_410] : memref<2560x128xi32, #tpu.memory_space<hbm>> -> memref<8x128xi32, #tpu.memory_space<hbm>>
        %dma_wait3A_412 = arith.constant 0 : i32
        %dma_wait3A_413 = tpu.memref_slice %arg4[%mul3A_32, %dma_wait3A_412] : memref<2560x128xi32, #tpu.memory_space<hbm>> -> memref<8x128xi32, #tpu.memory_space<hbm>>
        tpu.wait_dma2 semaphore(%run_scoped3A_405 : memref<!tpu.dma_semaphore, #tpu.memory_space<semaphore_mem>>) src(%dma_wait3A_413 : memref<8x128xi32, #tpu.memory_space<hbm>>) dst(%arg9 : memref<8x128xi32, #tpu.memory_space<vmem>>)
        tpu.yield
      }) : () -> ()
      %dma_start3A = arith.constant 0 : i32
      %dma_start3A_33 = arith.constant 0 : i32
      %dma_start3A_34 = tpu.memref_slice %arg8[%dma_start3A, %dma_start3A_33] : memref<8x128xi32, #tpu.memory_space<vmem>> -> memref<1x128xi32, #tpu.memory_space<vmem>>
      %dma_start3A_35 = tpu.memref_squeeze %dma_start3A_34 : memref<1x128xi32, #tpu.memory_space<vmem>> -> memref<128xi32, #tpu.memory_space<vmem>>
      %dma_start3A_36 = arith.constant 0 : i32
      %dma_start3A_37 = arith.constant 0 : i32
      %dma_start3A_38 = tpu.memref_slice %arg2[%dma_start3A_36, %dma_start3A_37] : memref<10000x128xf32, #tpu.memory_space<hbm>> -> memref<10000x128xf32, #tpu.memory_space<hbm>>
      tpu.enqueue_indirect_dma source(%dma_start3A_38 : memref<10000x128xf32, #tpu.memory_space<hbm>>) target(%arg10 : memref<128x128xf32, #tpu.memory_space<vmem>>) offsets(%dma_start3A_35 : memref<128xi32, #tpu.memory_space<vmem>>) semaphore(%arg13 : memref<!tpu.dma_semaphore, #tpu.memory_space<semaphore_mem>>)
      %dma_start3A_39 = arith.constant 1 : i32
      %dma_start3A_40 = arith.constant 0 : i32
      %dma_start3A_41 = tpu.memref_slice %arg8[%dma_start3A_39, %dma_start3A_40] : memref<8x128xi32, #tpu.memory_space<vmem>> -> memref<1x128xi32, #tpu.memory_space<vmem>>
      %dma_start3A_42 = tpu.memref_squeeze %dma_start3A_41 : memref<1x128xi32, #tpu.memory_space<vmem>> -> memref<128xi32, #tpu.memory_space<vmem>>
      %dma_start3A_43 = arith.constant 0 : i32
      %dma_start3A_44 = arith.constant 0 : i32
      %dma_start3A_45 = tpu.memref_slice %arg2[%dma_start3A_43, %dma_start3A_44] : memref<10000x128xf32, #tpu.memory_space<hbm>> -> memref<10000x128xf32, #tpu.memory_space<hbm>>
      tpu.enqueue_indirect_dma source(%dma_start3A_45 : memref<10000x128xf32, #tpu.memory_space<hbm>>) target(%arg11 : memref<128x128xf32, #tpu.memory_space<vmem>>) offsets(%dma_start3A_42 : memref<128xi32, #tpu.memory_space<vmem>>) semaphore(%arg14 : memref<!tpu.dma_semaphore, #tpu.memory_space<semaphore_mem>>)
      %get3A = arith.constant 0 : i32
      %get3A_46 = arith.index_cast %get3A : i32 to index
      %get3A_47 = arith.constant 0 : index
      %get3A_48 = tpu.vector_load %arg9[%get3A_46, %get3A_47] {strides = array<i32>} : memref<8x128xi32, #tpu.memory_space<vmem>>, vector<16xi32>,
      tpu.vector_store_idx %arg15[%get3A_48], %broadcast_in_dim3A_14 {add = true} : memref<10016xf32, #tpu.memory_space<vmem>>[vector<16xi32>], vector<16xf32>,
      %get3A_49 = arith.constant 0 : i32
      %get3A_50 = arith.index_cast %get3A_49 : i32 to index
      %get3A_51 = arith.constant 16 : index
      %get3A_52 = tpu.vector_load %arg9[%get3A_50, %get3A_51] {strides = array<i32>} : memref<8x128xi32, #tpu.memory_space<vmem>>, vector<16xi32>,
      tpu.vector_store_idx %arg15[%get3A_52], %broadcast_in_dim3A_14 {add = true} : memref<10016xf32, #tpu.memory_space<vmem>>[vector<16xi32>], vector<16xf32>,
      %get3A_53 = arith.constant 0 : i32
      %get3A_54 = arith.index_cast %get3A_53 : i32 to index
      %get3A_55 = arith.constant 32 : index
      %get3A_56 = tpu.vector_load %arg9[%get3A_54, %get3A_55] {strides = array<i32>} : memref<8x128xi32, #tpu.memory_space<vmem>>, vector<16xi32>,
      tpu.vector_store_idx %arg15[%get3A_56], %broadcast_in_dim3A_14 {add = true} : memref<10016xf32, #tpu.memory_space<vmem>>[vector<16xi32>], vector<16xf32>,
      %get3A_57 = arith.constant 0 : i32
      %get3A_58 = arith.index_cast %get3A_57 : i32 to index
      %get3A_59 = arith.constant 48 : index
      %get3A_60 = tpu.vector_load %arg9[%get3A_58, %get3A_59] {strides = array<i32>} : memref<8x128xi32, #tpu.memory_space<vmem>>, vector<16xi32>,
      tpu.vector_store_idx %arg15[%get3A_60], %broadcast_in_dim3A_14 {add = true} : memref<10016xf32, #tpu.memory_space<vmem>>[vector<16xi32>], vector<16xf32>,
      %get3A_61 = arith.constant 0 : i32
      %get3A_62 = arith.index_cast %get3A_61 : i32 to index
      %get3A_63 = arith.constant 64 : index
      %get3A_64 = tpu.vector_load %arg9[%get3A_62, %get3A_63] {strides = array<i32>} : memref<8x128xi32, #tpu.memory_space<vmem>>, vector<16xi32>,
      tpu.vector_store_idx %arg15[%get3A_64], %broadcast_in_dim3A_14 {add = true} : memref<10016xf32, #tpu.memory_space<vmem>>[vector<16xi32>], vector<16xf32>,
      %get3A_65 = arith.constant 0 : i32
      %get3A_66 = arith.index_cast %get3A_65 : i32 to index
      %get3A_67 = arith.constant 80 : index
      %get3A_68 = tpu.vector_load %arg9[%get3A_66, %get3A_67] {strides = array<i32>} : memref<8x128xi32, #tpu.memory_space<vmem>>, vector<16xi32>,
      tpu.vector_store_idx %arg15[%get3A_68], %broadcast_in_dim3A_14 {add = true} : memref<10016xf32, #tpu.memory_space<vmem>>[vector<16xi32>], vector<16xf32>,
      %get3A_69 = arith.constant 0 : i32
      %get3A_70 = arith.index_cast %get3A_69 : i32 to index
      %get3A_71 = arith.constant 96 : index
      %get3A_72 = tpu.vector_load %arg9[%get3A_70, %get3A_71] {strides = array<i32>} : memref<8x128xi32, #tpu.memory_space<vmem>>, vector<16xi32>,
      tpu.vector_store_idx %arg15[%get3A_72], %broadcast_in_dim3A_14 {add = true} : memref<10016xf32, #tpu.memory_space<vmem>>[vector<16xi32>], vector<16xf32>,
      %get3A_73 = arith.constant 0 : i32
      %get3A_74 = arith.index_cast %get3A_73 : i32 to index
      %get3A_75 = arith.constant 112 : index
      %get3A_76 = tpu.vector_load %arg9[%get3A_74, %get3A_75] {strides = array<i32>} : memref<8x128xi32, #tpu.memory_space<vmem>>, vector<16xi32>,
      tpu.vector_store_idx %arg15[%get3A_76], %broadcast_in_dim3A_14 {add = true} : memref<10016xf32, #tpu.memory_space<vmem>>[vector<16xi32>], vector<16xf32>,
      %dma_wait3A = arith.constant 0 : i32
      %dma_wait3A_77 = arith.constant 0 : i32
      %dma_wait3A_78 = tpu.memref_slice %arg8[%dma_wait3A, %dma_wait3A_77] : memref<8x128xi32, #tpu.memory_space<vmem>> -> memref<1x128xi32, #tpu.memory_space<vmem>>
      %dma_wait3A_79 = tpu.memref_squeeze %dma_wait3A_78 : memref<1x128xi32, #tpu.memory_space<vmem>> -> memref<128xi32, #tpu.memory_space<vmem>>
      %dma_wait3A_80 = arith.constant 0 : i32
      %dma_wait3A_81 = arith.constant 0 : i32
      %dma_wait3A_82 = tpu.memref_slice %arg2[%dma_wait3A_80, %dma_wait3A_81] : memref<10000x128xf32, #tpu.memory_space<hbm>> -> memref<10000x128xf32, #tpu.memory_space<hbm>>
      tpu.wait_indirect_dma semaphore(%arg13 : memref<!tpu.dma_semaphore, #tpu.memory_space<semaphore_mem>>) src(%dma_wait3A_82 : memref<10000x128xf32, #tpu.memory_space<hbm>>) dst(%arg10 : memref<128x128xf32, #tpu.memory_space<vmem>>)
      %run_scoped3A = arith.constant 0 : i32
      "tpu.region"() ({
        %run_scoped3A_405 = tpu.sem_alloc : memref<!tpu.dma_semaphore, #tpu.memory_space<semaphore_mem>>
        %dma_start3A_406 = arith.constant 0 : i32
        %dma_start3A_407 = tpu.memref_slice %arg9[%run_scoped3A, %dma_start3A_406] : memref<8x128xi32, #tpu.memory_space<vmem>> -> memref<1x128xi32, #tpu.memory_space<vmem>>
        %dma_start3A_408 = tpu.memref_squeeze %dma_start3A_407 : memref<1x128xi32, #tpu.memory_space<vmem>> -> memref<128xi32, #tpu.memory_space<vmem>>
        %dma_start3A_409 = arith.constant 0 : i32
        %dma_start3A_410 = arith.constant 0 : i32
        %dma_start3A_411 = tpu.memref_slice %arg12[%dma_start3A_409, %dma_start3A_410] : memref<10240x128xf32, #tpu.memory_space<vmem_shared>> -> memref<10240x128xf32, #tpu.memory_space<vmem_shared>>
        tpu.enqueue_indirect_dma source(%arg10 : memref<128x128xf32, #tpu.memory_space<vmem>>) target(%dma_start3A_411 : memref<10240x128xf32, #tpu.memory_space<vmem_shared>>) offsets(%dma_start3A_408 : memref<128xi32, #tpu.memory_space<vmem>>) semaphore(%run_scoped3A_405 : memref<!tpu.dma_semaphore, #tpu.memory_space<semaphore_mem>>) {add = true}
        %dma_wait3A_412 = arith.constant 0 : i32
        %dma_wait3A_413 = tpu.memref_slice %arg9[%run_scoped3A, %dma_wait3A_412] : memref<8x128xi32, #tpu.memory_space<vmem>> -> memref<1x128xi32, #tpu.memory_space<vmem>>
        %dma_wait3A_414 = tpu.memref_squeeze %dma_wait3A_413 : memref<1x128xi32, #tpu.memory_space<vmem>> -> memref<128xi32, #tpu.memory_space<vmem>>
        %dma_wait3A_415 = arith.constant 0 : i32
        %dma_wait3A_416 = arith.constant 0 : i32
        %dma_wait3A_417 = tpu.memref_slice %arg12[%dma_wait3A_415, %dma_wait3A_416] : memref<10240x128xf32, #tpu.memory_space<vmem_shared>> -> memref<10240x128xf32, #tpu.memory_space<vmem_shared>>
        tpu.wait_indirect_dma semaphore(%run_scoped3A_405 : memref<!tpu.dma_semaphore, #tpu.memory_space<semaphore_mem>>) src(%arg10 : memref<128x128xf32, #tpu.memory_space<vmem>>) dst(%dma_wait3A_417 : memref<10240x128xf32, #tpu.memory_space<vmem_shared>>)
        tpu.yield
      }) : () -> ()
      %dma_start3A_83 = arith.constant 2 : i32
      %dma_start3A_84 = arith.constant 0 : i32
      %dma_start3A_85 = tpu.memref_slice %arg8[%dma_start3A_83, %dma_start3A_84] : memref<8x128xi32, #tpu.memory_space<vmem>> -> memref<1x128xi32, #tpu.memory_space<vmem>>
      %dma_start3A_86 = tpu.memref_squeeze %dma_start3A_85 : memref<1x128xi32, #tpu.memory_space<vmem>> -> memref<128xi32, #tpu.memory_space<vmem>>
      %dma_start3A_87 = arith.constant 0 : i32
      %dma_start3A_88 = arith.constant 0 : i32
      %dma_start3A_89 = tpu.memref_slice %arg2[%dma_start3A_87, %dma_start3A_88] : memref<10000x128xf32, #tpu.memory_space<hbm>> -> memref<10000x128xf32, #tpu.memory_space<hbm>>
      tpu.enqueue_indirect_dma source(%dma_start3A_89 : memref<10000x128xf32, #tpu.memory_space<hbm>>) target(%arg10 : memref<128x128xf32, #tpu.memory_space<vmem>>) offsets(%dma_start3A_86 : memref<128xi32, #tpu.memory_space<vmem>>) semaphore(%arg13 : memref<!tpu.dma_semaphore, #tpu.memory_space<semaphore_mem>>)
      %get3A_90 = arith.constant 1 : i32
      %get3A_91 = arith.index_cast %get3A_90 : i32 to index
      %get3A_92 = arith.constant 0 : index
      %get3A_93 = tpu.vector_load %arg9[%get3A_91, %get3A_92] {strides = array<i32>} : memref<8x128xi32, #tpu.memory_space<vmem>>, vector<16xi32>,
      tpu.vector_store_idx %arg15[%get3A_93], %broadcast_in_dim3A_14 {add = true} : memref<10016xf32, #tpu.memory_space<vmem>>[vector<16xi32>], vector<16xf32>,
      %get3A_94 = arith.constant 1 : i32
      %get3A_95 = arith.index_cast %get3A_94 : i32 to index
      %get3A_96 = arith.constant 16 : index
      %get3A_97 = tpu.vector_load %arg9[%get3A_95, %get3A_96] {strides = array<i32>} : memref<8x128xi32, #tpu.memory_space<vmem>>, vector<16xi32>,
      tpu.vector_store_idx %arg15[%get3A_97], %broadcast_in_dim3A_14 {add = true} : memref<10016xf32, #tpu.memory_space<vmem>>[vector<16xi32>], vector<16xf32>,
      %get3A_98 = arith.constant 1 : i32
      %get3A_99 = arith.index_cast %get3A_98 : i32 to index
      %get3A_100 = arith.constant 32 : index
      %get3A_101 = tpu.vector_load %arg9[%get3A_99, %get3A_100] {strides = array<i32>} : memref<8x128xi32, #tpu.memory_space<vmem>>, vector<16xi32>,
      tpu.vector_store_idx %arg15[%get3A_101], %broadcast_in_dim3A_14 {add = true} : memref<10016xf32, #tpu.memory_space<vmem>>[vector<16xi32>], vector<16xf32>,
      %get3A_102 = arith.constant 1 : i32
      %get3A_103 = arith.index_cast %get3A_102 : i32 to index
      %get3A_104 = arith.constant 48 : index
      %get3A_105 = tpu.vector_load %arg9[%get3A_103, %get3A_104] {strides = array<i32>} : memref<8x128xi32, #tpu.memory_space<vmem>>, vector<16xi32>,
      tpu.vector_store_idx %arg15[%get3A_105], %broadcast_in_dim3A_14 {add = true} : memref<10016xf32, #tpu.memory_space<vmem>>[vector<16xi32>], vector<16xf32>,
      %get3A_106 = arith.constant 1 : i32
      %get3A_107 = arith.index_cast %get3A_106 : i32 to index
      %get3A_108 = arith.constant 64 : index
      %get3A_109 = tpu.vector_load %arg9[%get3A_107, %get3A_108] {strides = array<i32>} : memref<8x128xi32, #tpu.memory_space<vmem>>, vector<16xi32>,
      tpu.vector_store_idx %arg15[%get3A_109], %broadcast_in_dim3A_14 {add = true} : memref<10016xf32, #tpu.memory_space<vmem>>[vector<16xi32>], vector<16xf32>,
      %get3A_110 = arith.constant 1 : i32
      %get3A_111 = arith.index_cast %get3A_110 : i32 to index
      %get3A_112 = arith.constant 80 : index
      %get3A_113 = tpu.vector_load %arg9[%get3A_111, %get3A_112] {strides = array<i32>} : memref<8x128xi32, #tpu.memory_space<vmem>>, vector<16xi32>,
      tpu.vector_store_idx %arg15[%get3A_113], %broadcast_in_dim3A_14 {add = true} : memref<10016xf32, #tpu.memory_space<vmem>>[vector<16xi32>], vector<16xf32>,
      %get3A_114 = arith.constant 1 : i32
      %get3A_115 = arith.index_cast %get3A_114 : i32 to index
      %get3A_116 = arith.constant 96 : index
      %get3A_117 = tpu.vector_load %arg9[%get3A_115, %get3A_116] {strides = array<i32>} : memref<8x128xi32, #tpu.memory_space<vmem>>, vector<16xi32>,
      tpu.vector_store_idx %arg15[%get3A_117], %broadcast_in_dim3A_14 {add = true} : memref<10016xf32, #tpu.memory_space<vmem>>[vector<16xi32>], vector<16xf32>,
      %get3A_118 = arith.constant 1 : i32
      %get3A_119 = arith.index_cast %get3A_118 : i32 to index
      %get3A_120 = arith.constant 112 : index
      %get3A_121 = tpu.vector_load %arg9[%get3A_119, %get3A_120] {strides = array<i32>} : memref<8x128xi32, #tpu.memory_space<vmem>>, vector<16xi32>,
      tpu.vector_store_idx %arg15[%get3A_121], %broadcast_in_dim3A_14 {add = true} : memref<10016xf32, #tpu.memory_space<vmem>>[vector<16xi32>], vector<16xf32>,
      %dma_wait3A_122 = arith.constant 1 : i32
      %dma_wait3A_123 = arith.constant 0 : i32
      %dma_wait3A_124 = tpu.memref_slice %arg8[%dma_wait3A_122, %dma_wait3A_123] : memref<8x128xi32, #tpu.memory_space<vmem>> -> memref<1x128xi32, #tpu.memory_space<vmem>>
      %dma_wait3A_125 = tpu.memref_squeeze %dma_wait3A_124 : memref<1x128xi32, #tpu.memory_space<vmem>> -> memref<128xi32, #tpu.memory_space<vmem>>
      %dma_wait3A_126 = arith.constant 0 : i32
      %dma_wait3A_127 = arith.constant 0 : i32
      %dma_wait3A_128 = tpu.memref_slice %arg2[%dma_wait3A_126, %dma_wait3A_127] : memref<10000x128xf32, #tpu.memory_space<hbm>> -> memref<10000x128xf32, #tpu.memory_space<hbm>>
      tpu.wait_indirect_dma semaphore(%arg14 : memref<!tpu.dma_semaphore, #tpu.memory_space<semaphore_mem>>) src(%dma_wait3A_128 : memref<10000x128xf32, #tpu.memory_space<hbm>>) dst(%arg11 : memref<128x128xf32, #tpu.memory_space<vmem>>)
      %run_scoped3A_129 = arith.constant 1 : i32
      "tpu.region"() ({
        %run_scoped3A_405 = tpu.sem_alloc : memref<!tpu.dma_semaphore, #tpu.memory_space<semaphore_mem>>
        %dma_start3A_406 = arith.constant 0 : i32
        %dma_start3A_407 = tpu.memref_slice %arg9[%run_scoped3A_129, %dma_start3A_406] : memref<8x128xi32, #tpu.memory_space<vmem>> -> memref<1x128xi32, #tpu.memory_space<vmem>>
        %dma_start3A_408 = tpu.memref_squeeze %dma_start3A_407 : memref<1x128xi32, #tpu.memory_space<vmem>> -> memref<128xi32, #tpu.memory_space<vmem>>
        %dma_start3A_409 = arith.constant 0 : i32
        %dma_start3A_410 = arith.constant 0 : i32
        %dma_start3A_411 = tpu.memref_slice %arg12[%dma_start3A_409, %dma_start3A_410] : memref<10240x128xf32, #tpu.memory_space<vmem_shared>> -> memref<10240x128xf32, #tpu.memory_space<vmem_shared>>
        tpu.enqueue_indirect_dma source(%arg11 : memref<128x128xf32, #tpu.memory_space<vmem>>) target(%dma_start3A_411 : memref<10240x128xf32, #tpu.memory_space<vmem_shared>>) offsets(%dma_start3A_408 : memref<128xi32, #tpu.memory_space<vmem>>) semaphore(%run_scoped3A_405 : memref<!tpu.dma_semaphore, #tpu.memory_space<semaphore_mem>>) {add = true}
        %dma_wait3A_412 = arith.constant 0 : i32
        %dma_wait3A_413 = tpu.memref_slice %arg9[%run_scoped3A_129, %dma_wait3A_412] : memref<8x128xi32, #tpu.memory_space<vmem>> -> memref<1x128xi32, #tpu.memory_space<vmem>>
        %dma_wait3A_414 = tpu.memref_squeeze %dma_wait3A_413 : memref<1x128xi32, #tpu.memory_space<vmem>> -> memref<128xi32, #tpu.memory_space<vmem>>
        %dma_wait3A_415 = arith.constant 0 : i32
        %dma_wait3A_416 = arith.constant 0 : i32
        %dma_wait3A_417 = tpu.memref_slice %arg12[%dma_wait3A_415, %dma_wait3A_416] : memref<10240x128xf32, #tpu.memory_space<vmem_shared>> -> memref<10240x128xf32, #tpu.memory_space<vmem_shared>>
        tpu.wait_indirect_dma semaphore(%run_scoped3A_405 : memref<!tpu.dma_semaphore, #tpu.memory_space<semaphore_mem>>) src(%arg11 : memref<128x128xf32, #tpu.memory_space<vmem>>) dst(%dma_wait3A_417 : memref<10240x128xf32, #tpu.memory_space<vmem_shared>>)
        tpu.yield
      }) : () -> ()
      %dma_start3A_130 = arith.constant 3 : i32
      %dma_start3A_131 = arith.constant 0 : i32
      %dma_start3A_132 = tpu.memref_slice %arg8[%dma_start3A_130, %dma_start3A_131] : memref<8x128xi32, #tpu.memory_space<vmem>> -> memref<1x128xi32, #tpu.memory_space<vmem>>
      %dma_start3A_133 = tpu.memref_squeeze %dma_start3A_132 : memref<1x128xi32, #tpu.memory_space<vmem>> -> memref<128xi32, #tpu.memory_space<vmem>>
      %dma_start3A_134 = arith.constant 0 : i32
      %dma_start3A_135 = arith.constant 0 : i32
      %dma_start3A_136 = tpu.memref_slice %arg2[%dma_start3A_134, %dma_start3A_135] : memref<10000x128xf32, #tpu.memory_space<hbm>> -> memref<10000x128xf32, #tpu.memory_space<hbm>>
      tpu.enqueue_indirect_dma source(%dma_start3A_136 : memref<10000x128xf32, #tpu.memory_space<hbm>>) target(%arg11 : memref<128x128xf32, #tpu.memory_space<vmem>>) offsets(%dma_start3A_133 : memref<128xi32, #tpu.memory_space<vmem>>) semaphore(%arg14 : memref<!tpu.dma_semaphore, #tpu.memory_space<semaphore_mem>>)
      %get3A_137 = arith.constant 2 : i32
      %get3A_138 = arith.index_cast %get3A_137 : i32 to index
      %get3A_139 = arith.constant 0 : index
      %get3A_140 = tpu.vector_load %arg9[%get3A_138, %get3A_139] {strides = array<i32>} : memref<8x128xi32, #tpu.memory_space<vmem>>, vector<16xi32>,
      tpu.vector_store_idx %arg15[%get3A_140], %broadcast_in_dim3A_14 {add = true} : memref<10016xf32, #tpu.memory_space<vmem>>[vector<16xi32>], vector<16xf32>,
      %get3A_141 = arith.constant 2 : i32
      %get3A_142 = arith.index_cast %get3A_141 : i32 to index
      %get3A_143 = arith.constant 16 : index
      %get3A_144 = tpu.vector_load %arg9[%get3A_142, %get3A_143] {strides = array<i32>} : memref<8x128xi32, #tpu.memory_space<vmem>>, vector<16xi32>,
      tpu.vector_store_idx %arg15[%get3A_144], %broadcast_in_dim3A_14 {add = true} : memref<10016xf32, #tpu.memory_space<vmem>>[vector<16xi32>], vector<16xf32>,
      %get3A_145 = arith.constant 2 : i32
      %get3A_146 = arith.index_cast %get3A_145 : i32 to index
      %get3A_147 = arith.constant 32 : index
      %get3A_148 = tpu.vector_load %arg9[%get3A_146, %get3A_147] {strides = array<i32>} : memref<8x128xi32, #tpu.memory_space<vmem>>, vector<16xi32>,
      tpu.vector_store_idx %arg15[%get3A_148], %broadcast_in_dim3A_14 {add = true} : memref<10016xf32, #tpu.memory_space<vmem>>[vector<16xi32>], vector<16xf32>,
      %get3A_149 = arith.constant 2 : i32
      %get3A_150 = arith.index_cast %get3A_149 : i32 to index
      %get3A_151 = arith.constant 48 : index
      %get3A_152 = tpu.vector_load %arg9[%get3A_150, %get3A_151] {strides = array<i32>} : memref<8x128xi32, #tpu.memory_space<vmem>>, vector<16xi32>,
      tpu.vector_store_idx %arg15[%get3A_152], %broadcast_in_dim3A_14 {add = true} : memref<10016xf32, #tpu.memory_space<vmem>>[vector<16xi32>], vector<16xf32>,
      %get3A_153 = arith.constant 2 : i32
      %get3A_154 = arith.index_cast %get3A_153 : i32 to index
      %get3A_155 = arith.constant 64 : index
      %get3A_156 = tpu.vector_load %arg9[%get3A_154, %get3A_155] {strides = array<i32>} : memref<8x128xi32, #tpu.memory_space<vmem>>, vector<16xi32>,
      tpu.vector_store_idx %arg15[%get3A_156], %broadcast_in_dim3A_14 {add = true} : memref<10016xf32, #tpu.memory_space<vmem>>[vector<16xi32>], vector<16xf32>,
      %get3A_157 = arith.constant 2 : i32
      %get3A_158 = arith.index_cast %get3A_157 : i32 to index
      %get3A_159 = arith.constant 80 : index
      %get3A_160 = tpu.vector_load %arg9[%get3A_158, %get3A_159] {strides = array<i32>} : memref<8x128xi32, #tpu.memory_space<vmem>>, vector<16xi32>,
      tpu.vector_store_idx %arg15[%get3A_160], %broadcast_in_dim3A_14 {add = true} : memref<10016xf32, #tpu.memory_space<vmem>>[vector<16xi32>], vector<16xf32>,
      %get3A_161 = arith.constant 2 : i32
      %get3A_162 = arith.index_cast %get3A_161 : i32 to index
      %get3A_163 = arith.constant 96 : index
      %get3A_164 = tpu.vector_load %arg9[%get3A_162, %get3A_163] {strides = array<i32>} : memref<8x128xi32, #tpu.memory_space<vmem>>, vector<16xi32>,
      tpu.vector_store_idx %arg15[%get3A_164], %broadcast_in_dim3A_14 {add = true} : memref<10016xf32, #tpu.memory_space<vmem>>[vector<16xi32>], vector<16xf32>,
      %get3A_165 = arith.constant 2 : i32
      %get3A_166 = arith.index_cast %get3A_165 : i32 to index
      %get3A_167 = arith.constant 112 : index
      %get3A_168 = tpu.vector_load %arg9[%get3A_166, %get3A_167] {strides = array<i32>} : memref<8x128xi32, #tpu.memory_space<vmem>>, vector<16xi32>,
      tpu.vector_store_idx %arg15[%get3A_168], %broadcast_in_dim3A_14 {add = true} : memref<10016xf32, #tpu.memory_space<vmem>>[vector<16xi32>], vector<16xf32>,
      %dma_wait3A_169 = arith.constant 2 : i32
      %dma_wait3A_170 = arith.constant 0 : i32
      %dma_wait3A_171 = tpu.memref_slice %arg8[%dma_wait3A_169, %dma_wait3A_170] : memref<8x128xi32, #tpu.memory_space<vmem>> -> memref<1x128xi32, #tpu.memory_space<vmem>>
      %dma_wait3A_172 = tpu.memref_squeeze %dma_wait3A_171 : memref<1x128xi32, #tpu.memory_space<vmem>> -> memref<128xi32, #tpu.memory_space<vmem>>
      %dma_wait3A_173 = arith.constant 0 : i32
      %dma_wait3A_174 = arith.constant 0 : i32
      %dma_wait3A_175 = tpu.memref_slice %arg2[%dma_wait3A_173, %dma_wait3A_174] : memref<10000x128xf32, #tpu.memory_space<hbm>> -> memref<10000x128xf32, #tpu.memory_space<hbm>>
      tpu.wait_indirect_dma semaphore(%arg13 : memref<!tpu.dma_semaphore, #tpu.memory_space<semaphore_mem>>) src(%dma_wait3A_175 : memref<10000x128xf32, #tpu.memory_space<hbm>>) dst(%arg10 : memref<128x128xf32, #tpu.memory_space<vmem>>)
      %run_scoped3A_176 = arith.constant 2 : i32
      "tpu.region"() ({
        %run_scoped3A_405 = tpu.sem_alloc : memref<!tpu.dma_semaphore, #tpu.memory_space<semaphore_mem>>
        %dma_start3A_406 = arith.constant 0 : i32
        %dma_start3A_407 = tpu.memref_slice %arg9[%run_scoped3A_176, %dma_start3A_406] : memref<8x128xi32, #tpu.memory_space<vmem>> -> memref<1x128xi32, #tpu.memory_space<vmem>>
        %dma_start3A_408 = tpu.memref_squeeze %dma_start3A_407 : memref<1x128xi32, #tpu.memory_space<vmem>> -> memref<128xi32, #tpu.memory_space<vmem>>
        %dma_start3A_409 = arith.constant 0 : i32
        %dma_start3A_410 = arith.constant 0 : i32
        %dma_start3A_411 = tpu.memref_slice %arg12[%dma_start3A_409, %dma_start3A_410] : memref<10240x128xf32, #tpu.memory_space<vmem_shared>> -> memref<10240x128xf32, #tpu.memory_space<vmem_shared>>
        tpu.enqueue_indirect_dma source(%arg10 : memref<128x128xf32, #tpu.memory_space<vmem>>) target(%dma_start3A_411 : memref<10240x128xf32, #tpu.memory_space<vmem_shared>>) offsets(%dma_start3A_408 : memref<128xi32, #tpu.memory_space<vmem>>) semaphore(%run_scoped3A_405 : memref<!tpu.dma_semaphore, #tpu.memory_space<semaphore_mem>>) {add = true}
        %dma_wait3A_412 = arith.constant 0 : i32
        %dma_wait3A_413 = tpu.memref_slice %arg9[%run_scoped3A_176, %dma_wait3A_412] : memref<8x128xi32, #tpu.memory_space<vmem>> -> memref<1x128xi32, #tpu.memory_space<vmem>>
        %dma_wait3A_414 = tpu.memref_squeeze %dma_wait3A_413 : memref<1x128xi32, #tpu.memory_space<vmem>> -> memref<128xi32, #tpu.memory_space<vmem>>
        %dma_wait3A_415 = arith.constant 0 : i32
        %dma_wait3A_416 = arith.constant 0 : i32
        %dma_wait3A_417 = tpu.memref_slice %arg12[%dma_wait3A_415, %dma_wait3A_416] : memref<10240x128xf32, #tpu.memory_space<vmem_shared>> -> memref<10240x128xf32, #tpu.memory_space<vmem_shared>>
        tpu.wait_indirect_dma semaphore(%run_scoped3A_405 : memref<!tpu.dma_semaphore, #tpu.memory_space<semaphore_mem>>) src(%arg10 : memref<128x128xf32, #tpu.memory_space<vmem>>) dst(%dma_wait3A_417 : memref<10240x128xf32, #tpu.memory_space<vmem_shared>>)
        tpu.yield
      }) : () -> ()
      %dma_start3A_177 = arith.constant 4 : i32
      %dma_start3A_178 = arith.constant 0 : i32
      %dma_start3A_179 = tpu.memref_slice %arg8[%dma_start3A_177, %dma_start3A_178] : memref<8x128xi32, #tpu.memory_space<vmem>> -> memref<1x128xi32, #tpu.memory_space<vmem>>
      %dma_start3A_180 = tpu.memref_squeeze %dma_start3A_179 : memref<1x128xi32, #tpu.memory_space<vmem>> -> memref<128xi32, #tpu.memory_space<vmem>>
      %dma_start3A_181 = arith.constant 0 : i32
      %dma_start3A_182 = arith.constant 0 : i32
      %dma_start3A_183 = tpu.memref_slice %arg2[%dma_start3A_181, %dma_start3A_182] : memref<10000x128xf32, #tpu.memory_space<hbm>> -> memref<10000x128xf32, #tpu.memory_space<hbm>>
      tpu.enqueue_indirect_dma source(%dma_start3A_183 : memref<10000x128xf32, #tpu.memory_space<hbm>>) target(%arg10 : memref<128x128xf32, #tpu.memory_space<vmem>>) offsets(%dma_start3A_180 : memref<128xi32, #tpu.memory_space<vmem>>) semaphore(%arg13 : memref<!tpu.dma_semaphore, #tpu.memory_space<semaphore_mem>>)
      %get3A_184 = arith.constant 3 : i32
      %get3A_185 = arith.index_cast %get3A_184 : i32 to index
      %get3A_186 = arith.constant 0 : index
      %get3A_187 = tpu.vector_load %arg9[%get3A_185, %get3A_186] {strides = array<i32>} : memref<8x128xi32, #tpu.memory_space<vmem>>, vector<16xi32>,
      tpu.vector_store_idx %arg15[%get3A_187], %broadcast_in_dim3A_14 {add = true} : memref<10016xf32, #tpu.memory_space<vmem>>[vector<16xi32>], vector<16xf32>,
      %get3A_188 = arith.constant 3 : i32
      %get3A_189 = arith.index_cast %get3A_188 : i32 to index
      %get3A_190 = arith.constant 16 : index
      %get3A_191 = tpu.vector_load %arg9[%get3A_189, %get3A_190] {strides = array<i32>} : memref<8x128xi32, #tpu.memory_space<vmem>>, vector<16xi32>,
      tpu.vector_store_idx %arg15[%get3A_191], %broadcast_in_dim3A_14 {add = true} : memref<10016xf32, #tpu.memory_space<vmem>>[vector<16xi32>], vector<16xf32>,
      %get3A_192 = arith.constant 3 : i32
      %get3A_193 = arith.index_cast %get3A_192 : i32 to index
      %get3A_194 = arith.constant 32 : index
      %get3A_195 = tpu.vector_load %arg9[%get3A_193, %get3A_194] {strides = array<i32>} : memref<8x128xi32, #tpu.memory_space<vmem>>, vector<16xi32>,
      tpu.vector_store_idx %arg15[%get3A_195], %broadcast_in_dim3A_14 {add = true} : memref<10016xf32, #tpu.memory_space<vmem>>[vector<16xi32>], vector<16xf32>,
      %get3A_196 = arith.constant 3 : i32
      %get3A_197 = arith.index_cast %get3A_196 : i32 to index
      %get3A_198 = arith.constant 48 : index
      %get3A_199 = tpu.vector_load %arg9[%get3A_197, %get3A_198] {strides = array<i32>} : memref<8x128xi32, #tpu.memory_space<vmem>>, vector<16xi32>,
      tpu.vector_store_idx %arg15[%get3A_199], %broadcast_in_dim3A_14 {add = true} : memref<10016xf32, #tpu.memory_space<vmem>>[vector<16xi32>], vector<16xf32>,
      %get3A_200 = arith.constant 3 : i32
      %get3A_201 = arith.index_cast %get3A_200 : i32 to index
      %get3A_202 = arith.constant 64 : index
      %get3A_203 = tpu.vector_load %arg9[%get3A_201, %get3A_202] {strides = array<i32>} : memref<8x128xi32, #tpu.memory_space<vmem>>, vector<16xi32>,
      tpu.vector_store_idx %arg15[%get3A_203], %broadcast_in_dim3A_14 {add = true} : memref<10016xf32, #tpu.memory_space<vmem>>[vector<16xi32>], vector<16xf32>,
      %get3A_204 = arith.constant 3 : i32
      %get3A_205 = arith.index_cast %get3A_204 : i32 to index
      %get3A_206 = arith.constant 80 : index
      %get3A_207 = tpu.vector_load %arg9[%get3A_205, %get3A_206] {strides = array<i32>} : memref<8x128xi32, #tpu.memory_space<vmem>>, vector<16xi32>,
      tpu.vector_store_idx %arg15[%get3A_207], %broadcast_in_dim3A_14 {add = true} : memref<10016xf32, #tpu.memory_space<vmem>>[vector<16xi32>], vector<16xf32>,
      %get3A_208 = arith.constant 3 : i32
      %get3A_209 = arith.index_cast %get3A_208 : i32 to index
      %get3A_210 = arith.constant 96 : index
      %get3A_211 = tpu.vector_load %arg9[%get3A_209, %get3A_210] {strides = array<i32>} : memref<8x128xi32, #tpu.memory_space<vmem>>, vector<16xi32>,
      tpu.vector_store_idx %arg15[%get3A_211], %broadcast_in_dim3A_14 {add = true} : memref<10016xf32, #tpu.memory_space<vmem>>[vector<16xi32>], vector<16xf32>,
      %get3A_212 = arith.constant 3 : i32
      %get3A_213 = arith.index_cast %get3A_212 : i32 to index
      %get3A_214 = arith.constant 112 : index
      %get3A_215 = tpu.vector_load %arg9[%get3A_213, %get3A_214] {strides = array<i32>} : memref<8x128xi32, #tpu.memory_space<vmem>>, vector<16xi32>,
      tpu.vector_store_idx %arg15[%get3A_215], %broadcast_in_dim3A_14 {add = true} : memref<10016xf32, #tpu.memory_space<vmem>>[vector<16xi32>], vector<16xf32>,
      %dma_wait3A_216 = arith.constant 3 : i32
      %dma_wait3A_217 = arith.constant 0 : i32
      %dma_wait3A_218 = tpu.memref_slice %arg8[%dma_wait3A_216, %dma_wait3A_217] : memref<8x128xi32, #tpu.memory_space<vmem>> -> memref<1x128xi32, #tpu.memory_space<vmem>>
      %dma_wait3A_219 = tpu.memref_squeeze %dma_wait3A_218 : memref<1x128xi32, #tpu.memory_space<vmem>> -> memref<128xi32, #tpu.memory_space<vmem>>
      %dma_wait3A_220 = arith.constant 0 : i32
      %dma_wait3A_221 = arith.constant 0 : i32
      %dma_wait3A_222 = tpu.memref_slice %arg2[%dma_wait3A_220, %dma_wait3A_221] : memref<10000x128xf32, #tpu.memory_space<hbm>> -> memref<10000x128xf32, #tpu.memory_space<hbm>>
      tpu.wait_indirect_dma semaphore(%arg14 : memref<!tpu.dma_semaphore, #tpu.memory_space<semaphore_mem>>) src(%dma_wait3A_222 : memref<10000x128xf32, #tpu.memory_space<hbm>>) dst(%arg11 : memref<128x128xf32, #tpu.memory_space<vmem>>)
      %run_scoped3A_223 = arith.constant 3 : i32
      "tpu.region"() ({
        %run_scoped3A_405 = tpu.sem_alloc : memref<!tpu.dma_semaphore, #tpu.memory_space<semaphore_mem>>
        %dma_start3A_406 = arith.constant 0 : i32
        %dma_start3A_407 = tpu.memref_slice %arg9[%run_scoped3A_223, %dma_start3A_406] : memref<8x128xi32, #tpu.memory_space<vmem>> -> memref<1x128xi32, #tpu.memory_space<vmem>>
        %dma_start3A_408 = tpu.memref_squeeze %dma_start3A_407 : memref<1x128xi32, #tpu.memory_space<vmem>> -> memref<128xi32, #tpu.memory_space<vmem>>
        %dma_start3A_409 = arith.constant 0 : i32
        %dma_start3A_410 = arith.constant 0 : i32
        %dma_start3A_411 = tpu.memref_slice %arg12[%dma_start3A_409, %dma_start3A_410] : memref<10240x128xf32, #tpu.memory_space<vmem_shared>> -> memref<10240x128xf32, #tpu.memory_space<vmem_shared>>
        tpu.enqueue_indirect_dma source(%arg11 : memref<128x128xf32, #tpu.memory_space<vmem>>) target(%dma_start3A_411 : memref<10240x128xf32, #tpu.memory_space<vmem_shared>>) offsets(%dma_start3A_408 : memref<128xi32, #tpu.memory_space<vmem>>) semaphore(%run_scoped3A_405 : memref<!tpu.dma_semaphore, #tpu.memory_space<semaphore_mem>>) {add = true}
        %dma_wait3A_412 = arith.constant 0 : i32
        %dma_wait3A_413 = tpu.memref_slice %arg9[%run_scoped3A_223, %dma_wait3A_412] : memref<8x128xi32, #tpu.memory_space<vmem>> -> memref<1x128xi32, #tpu.memory_space<vmem>>
        %dma_wait3A_414 = tpu.memref_squeeze %dma_wait3A_413 : memref<1x128xi32, #tpu.memory_space<vmem>> -> memref<128xi32, #tpu.memory_space<vmem>>
        %dma_wait3A_415 = arith.constant 0 : i32
        %dma_wait3A_416 = arith.constant 0 : i32
        %dma_wait3A_417 = tpu.memref_slice %arg12[%dma_wait3A_415, %dma_wait3A_416] : memref<10240x128xf32, #tpu.memory_space<vmem_shared>> -> memref<10240x128xf32, #tpu.memory_space<vmem_shared>>
        tpu.wait_indirect_dma semaphore(%run_scoped3A_405 : memref<!tpu.dma_semaphore, #tpu.memory_space<semaphore_mem>>) src(%arg11 : memref<128x128xf32, #tpu.memory_space<vmem>>) dst(%dma_wait3A_417 : memref<10240x128xf32, #tpu.memory_space<vmem_shared>>)
        tpu.yield
      }) : () -> ()
      %dma_start3A_224 = arith.constant 5 : i32
      %dma_start3A_225 = arith.constant 0 : i32
      %dma_start3A_226 = tpu.memref_slice %arg8[%dma_start3A_224, %dma_start3A_225] : memref<8x128xi32, #tpu.memory_space<vmem>> -> memref<1x128xi32, #tpu.memory_space<vmem>>
      %dma_start3A_227 = tpu.memref_squeeze %dma_start3A_226 : memref<1x128xi32, #tpu.memory_space<vmem>> -> memref<128xi32, #tpu.memory_space<vmem>>
      %dma_start3A_228 = arith.constant 0 : i32
      %dma_start3A_229 = arith.constant 0 : i32
      %dma_start3A_230 = tpu.memref_slice %arg2[%dma_start3A_228, %dma_start3A_229] : memref<10000x128xf32, #tpu.memory_space<hbm>> -> memref<10000x128xf32, #tpu.memory_space<hbm>>
      tpu.enqueue_indirect_dma source(%dma_start3A_230 : memref<10000x128xf32, #tpu.memory_space<hbm>>) target(%arg11 : memref<128x128xf32, #tpu.memory_space<vmem>>) offsets(%dma_start3A_227 : memref<128xi32, #tpu.memory_space<vmem>>) semaphore(%arg14 : memref<!tpu.dma_semaphore, #tpu.memory_space<semaphore_mem>>)
      %get3A_231 = arith.constant 4 : i32
      %get3A_232 = arith.index_cast %get3A_231 : i32 to index
      %get3A_233 = arith.constant 0 : index
      %get3A_234 = tpu.vector_load %arg9[%get3A_232, %get3A_233] {strides = array<i32>} : memref<8x128xi32, #tpu.memory_space<vmem>>, vector<16xi32>,
      tpu.vector_store_idx %arg15[%get3A_234], %broadcast_in_dim3A_14 {add = true} : memref<10016xf32, #tpu.memory_space<vmem>>[vector<16xi32>], vector<16xf32>,
      %get3A_235 = arith.constant 4 : i32
      %get3A_236 = arith.index_cast %get3A_235 : i32 to index
      %get3A_237 = arith.constant 16 : index
      %get3A_238 = tpu.vector_load %arg9[%get3A_236, %get3A_237] {strides = array<i32>} : memref<8x128xi32, #tpu.memory_space<vmem>>, vector<16xi32>,
      tpu.vector_store_idx %arg15[%get3A_238], %broadcast_in_dim3A_14 {add = true} : memref<10016xf32, #tpu.memory_space<vmem>>[vector<16xi32>], vector<16xf32>,
      %get3A_239 = arith.constant 4 : i32
      %get3A_240 = arith.index_cast %get3A_239 : i32 to index
      %get3A_241 = arith.constant 32 : index
      %get3A_242 = tpu.vector_load %arg9[%get3A_240, %get3A_241] {strides = array<i32>} : memref<8x128xi32, #tpu.memory_space<vmem>>, vector<16xi32>,
      tpu.vector_store_idx %arg15[%get3A_242], %broadcast_in_dim3A_14 {add = true} : memref<10016xf32, #tpu.memory_space<vmem>>[vector<16xi32>], vector<16xf32>,
      %get3A_243 = arith.constant 4 : i32
      %get3A_244 = arith.index_cast %get3A_243 : i32 to index
      %get3A_245 = arith.constant 48 : index
      %get3A_246 = tpu.vector_load %arg9[%get3A_244, %get3A_245] {strides = array<i32>} : memref<8x128xi32, #tpu.memory_space<vmem>>, vector<16xi32>,
      tpu.vector_store_idx %arg15[%get3A_246], %broadcast_in_dim3A_14 {add = true} : memref<10016xf32, #tpu.memory_space<vmem>>[vector<16xi32>], vector<16xf32>,
      %get3A_247 = arith.constant 4 : i32
      %get3A_248 = arith.index_cast %get3A_247 : i32 to index
      %get3A_249 = arith.constant 64 : index
      %get3A_250 = tpu.vector_load %arg9[%get3A_248, %get3A_249] {strides = array<i32>} : memref<8x128xi32, #tpu.memory_space<vmem>>, vector<16xi32>,
      tpu.vector_store_idx %arg15[%get3A_250], %broadcast_in_dim3A_14 {add = true} : memref<10016xf32, #tpu.memory_space<vmem>>[vector<16xi32>], vector<16xf32>,
      %get3A_251 = arith.constant 4 : i32
      %get3A_252 = arith.index_cast %get3A_251 : i32 to index
      %get3A_253 = arith.constant 80 : index
      %get3A_254 = tpu.vector_load %arg9[%get3A_252, %get3A_253] {strides = array<i32>} : memref<8x128xi32, #tpu.memory_space<vmem>>, vector<16xi32>,
      tpu.vector_store_idx %arg15[%get3A_254], %broadcast_in_dim3A_14 {add = true} : memref<10016xf32, #tpu.memory_space<vmem>>[vector<16xi32>], vector<16xf32>,
      %get3A_255 = arith.constant 4 : i32
      %get3A_256 = arith.index_cast %get3A_255 : i32 to index
      %get3A_257 = arith.constant 96 : index
      %get3A_258 = tpu.vector_load %arg9[%get3A_256, %get3A_257] {strides = array<i32>} : memref<8x128xi32, #tpu.memory_space<vmem>>, vector<16xi32>,
      tpu.vector_store_idx %arg15[%get3A_258], %broadcast_in_dim3A_14 {add = true} : memref<10016xf32, #tpu.memory_space<vmem>>[vector<16xi32>], vector<16xf32>,
      %get3A_259 = arith.constant 4 : i32
      %get3A_260 = arith.index_cast %get3A_259 : i32 to index
      %get3A_261 = arith.constant 112 : index
      %get3A_262 = tpu.vector_load %arg9[%get3A_260, %get3A_261] {strides = array<i32>} : memref<8x128xi32, #tpu.memory_space<vmem>>, vector<16xi32>,
      tpu.vector_store_idx %arg15[%get3A_262], %broadcast_in_dim3A_14 {add = true} : memref<10016xf32, #tpu.memory_space<vmem>>[vector<16xi32>], vector<16xf32>,
      %dma_wait3A_263 = arith.constant 4 : i32
      %dma_wait3A_264 = arith.constant 0 : i32
      %dma_wait3A_265 = tpu.memref_slice %arg8[%dma_wait3A_263, %dma_wait3A_264] : memref<8x128xi32, #tpu.memory_space<vmem>> -> memref<1x128xi32, #tpu.memory_space<vmem>>
      %dma_wait3A_266 = tpu.memref_squeeze %dma_wait3A_265 : memref<1x128xi32, #tpu.memory_space<vmem>> -> memref<128xi32, #tpu.memory_space<vmem>>
      %dma_wait3A_267 = arith.constant 0 : i32
      %dma_wait3A_268 = arith.constant 0 : i32
      %dma_wait3A_269 = tpu.memref_slice %arg2[%dma_wait3A_267, %dma_wait3A_268] : memref<10000x128xf32, #tpu.memory_space<hbm>> -> memref<10000x128xf32, #tpu.memory_space<hbm>>
      tpu.wait_indirect_dma semaphore(%arg13 : memref<!tpu.dma_semaphore, #tpu.memory_space<semaphore_mem>>) src(%dma_wait3A_269 : memref<10000x128xf32, #tpu.memory_space<hbm>>) dst(%arg10 : memref<128x128xf32, #tpu.memory_space<vmem>>)
      %run_scoped3A_270 = arith.constant 4 : i32
      "tpu.region"() ({
        %run_scoped3A_405 = tpu.sem_alloc : memref<!tpu.dma_semaphore, #tpu.memory_space<semaphore_mem>>
        %dma_start3A_406 = arith.constant 0 : i32
        %dma_start3A_407 = tpu.memref_slice %arg9[%run_scoped3A_270, %dma_start3A_406] : memref<8x128xi32, #tpu.memory_space<vmem>> -> memref<1x128xi32, #tpu.memory_space<vmem>>
        %dma_start3A_408 = tpu.memref_squeeze %dma_start3A_407 : memref<1x128xi32, #tpu.memory_space<vmem>> -> memref<128xi32, #tpu.memory_space<vmem>>
        %dma_start3A_409 = arith.constant 0 : i32
        %dma_start3A_410 = arith.constant 0 : i32
        %dma_start3A_411 = tpu.memref_slice %arg12[%dma_start3A_409, %dma_start3A_410] : memref<10240x128xf32, #tpu.memory_space<vmem_shared>> -> memref<10240x128xf32, #tpu.memory_space<vmem_shared>>
        tpu.enqueue_indirect_dma source(%arg10 : memref<128x128xf32, #tpu.memory_space<vmem>>) target(%dma_start3A_411 : memref<10240x128xf32, #tpu.memory_space<vmem_shared>>) offsets(%dma_start3A_408 : memref<128xi32, #tpu.memory_space<vmem>>) semaphore(%run_scoped3A_405 : memref<!tpu.dma_semaphore, #tpu.memory_space<semaphore_mem>>) {add = true}
        %dma_wait3A_412 = arith.constant 0 : i32
        %dma_wait3A_413 = tpu.memref_slice %arg9[%run_scoped3A_270, %dma_wait3A_412] : memref<8x128xi32, #tpu.memory_space<vmem>> -> memref<1x128xi32, #tpu.memory_space<vmem>>
        %dma_wait3A_414 = tpu.memref_squeeze %dma_wait3A_413 : memref<1x128xi32, #tpu.memory_space<vmem>> -> memref<128xi32, #tpu.memory_space<vmem>>
        %dma_wait3A_415 = arith.constant 0 : i32
        %dma_wait3A_416 = arith.constant 0 : i32
        %dma_wait3A_417 = tpu.memref_slice %arg12[%dma_wait3A_415, %dma_wait3A_416] : memref<10240x128xf32, #tpu.memory_space<vmem_shared>> -> memref<10240x128xf32, #tpu.memory_space<vmem_shared>>
        tpu.wait_indirect_dma semaphore(%run_scoped3A_405 : memref<!tpu.dma_semaphore, #tpu.memory_space<semaphore_mem>>) src(%arg10 : memref<128x128xf32, #tpu.memory_space<vmem>>) dst(%dma_wait3A_417 : memref<10240x128xf32, #tpu.memory_space<vmem_shared>>)
        tpu.yield
      }) : () -> ()
      %dma_start3A_271 = arith.constant 6 : i32
      %dma_start3A_272 = arith.constant 0 : i32
      %dma_start3A_273 = tpu.memref_slice %arg8[%dma_start3A_271, %dma_start3A_272] : memref<8x128xi32, #tpu.memory_space<vmem>> -> memref<1x128xi32, #tpu.memory_space<vmem>>
      %dma_start3A_274 = tpu.memref_squeeze %dma_start3A_273 : memref<1x128xi32, #tpu.memory_space<vmem>> -> memref<128xi32, #tpu.memory_space<vmem>>
      %dma_start3A_275 = arith.constant 0 : i32
      %dma_start3A_276 = arith.constant 0 : i32
      %dma_start3A_277 = tpu.memref_slice %arg2[%dma_start3A_275, %dma_start3A_276] : memref<10000x128xf32, #tpu.memory_space<hbm>> -> memref<10000x128xf32, #tpu.memory_space<hbm>>
      tpu.enqueue_indirect_dma source(%dma_start3A_277 : memref<10000x128xf32, #tpu.memory_space<hbm>>) target(%arg10 : memref<128x128xf32, #tpu.memory_space<vmem>>) offsets(%dma_start3A_274 : memref<128xi32, #tpu.memory_space<vmem>>) semaphore(%arg13 : memref<!tpu.dma_semaphore, #tpu.memory_space<semaphore_mem>>)
      %get3A_278 = arith.constant 5 : i32
      %get3A_279 = arith.index_cast %get3A_278 : i32 to index
      %get3A_280 = arith.constant 0 : index
      %get3A_281 = tpu.vector_load %arg9[%get3A_279, %get3A_280] {strides = array<i32>} : memref<8x128xi32, #tpu.memory_space<vmem>>, vector<16xi32>,
      tpu.vector_store_idx %arg15[%get3A_281], %broadcast_in_dim3A_14 {add = true} : memref<10016xf32, #tpu.memory_space<vmem>>[vector<16xi32>], vector<16xf32>,
      %get3A_282 = arith.constant 5 : i32
      %get3A_283 = arith.index_cast %get3A_282 : i32 to index
      %get3A_284 = arith.constant 16 : index
      %get3A_285 = tpu.vector_load %arg9[%get3A_283, %get3A_284] {strides = array<i32>} : memref<8x128xi32, #tpu.memory_space<vmem>>, vector<16xi32>,
      tpu.vector_store_idx %arg15[%get3A_285], %broadcast_in_dim3A_14 {add = true} : memref<10016xf32, #tpu.memory_space<vmem>>[vector<16xi32>], vector<16xf32>,
      %get3A_286 = arith.constant 5 : i32
      %get3A_287 = arith.index_cast %get3A_286 : i32 to index
      %get3A_288 = arith.constant 32 : index
      %get3A_289 = tpu.vector_load %arg9[%get3A_287, %get3A_288] {strides = array<i32>} : memref<8x128xi32, #tpu.memory_space<vmem>>, vector<16xi32>,
      tpu.vector_store_idx %arg15[%get3A_289], %broadcast_in_dim3A_14 {add = true} : memref<10016xf32, #tpu.memory_space<vmem>>[vector<16xi32>], vector<16xf32>,
      %get3A_290 = arith.constant 5 : i32
      %get3A_291 = arith.index_cast %get3A_290 : i32 to index
      %get3A_292 = arith.constant 48 : index
      %get3A_293 = tpu.vector_load %arg9[%get3A_291, %get3A_292] {strides = array<i32>} : memref<8x128xi32, #tpu.memory_space<vmem>>, vector<16xi32>,
      tpu.vector_store_idx %arg15[%get3A_293], %broadcast_in_dim3A_14 {add = true} : memref<10016xf32, #tpu.memory_space<vmem>>[vector<16xi32>], vector<16xf32>,
      %get3A_294 = arith.constant 5 : i32
      %get3A_295 = arith.index_cast %get3A_294 : i32 to index
      %get3A_296 = arith.constant 64 : index
      %get3A_297 = tpu.vector_load %arg9[%get3A_295, %get3A_296] {strides = array<i32>} : memref<8x128xi32, #tpu.memory_space<vmem>>, vector<16xi32>,
      tpu.vector_store_idx %arg15[%get3A_297], %broadcast_in_dim3A_14 {add = true} : memref<10016xf32, #tpu.memory_space<vmem>>[vector<16xi32>], vector<16xf32>,
      %get3A_298 = arith.constant 5 : i32
      %get3A_299 = arith.index_cast %get3A_298 : i32 to index
      %get3A_300 = arith.constant 80 : index
      %get3A_301 = tpu.vector_load %arg9[%get3A_299, %get3A_300] {strides = array<i32>} : memref<8x128xi32, #tpu.memory_space<vmem>>, vector<16xi32>,
      tpu.vector_store_idx %arg15[%get3A_301], %broadcast_in_dim3A_14 {add = true} : memref<10016xf32, #tpu.memory_space<vmem>>[vector<16xi32>], vector<16xf32>,
      %get3A_302 = arith.constant 5 : i32
      %get3A_303 = arith.index_cast %get3A_302 : i32 to index
      %get3A_304 = arith.constant 96 : index
      %get3A_305 = tpu.vector_load %arg9[%get3A_303, %get3A_304] {strides = array<i32>} : memref<8x128xi32, #tpu.memory_space<vmem>>, vector<16xi32>,
      tpu.vector_store_idx %arg15[%get3A_305], %broadcast_in_dim3A_14 {add = true} : memref<10016xf32, #tpu.memory_space<vmem>>[vector<16xi32>], vector<16xf32>,
      %get3A_306 = arith.constant 5 : i32
      %get3A_307 = arith.index_cast %get3A_306 : i32 to index
      %get3A_308 = arith.constant 112 : index
      %get3A_309 = tpu.vector_load %arg9[%get3A_307, %get3A_308] {strides = array<i32>} : memref<8x128xi32, #tpu.memory_space<vmem>>, vector<16xi32>,
      tpu.vector_store_idx %arg15[%get3A_309], %broadcast_in_dim3A_14 {add = true} : memref<10016xf32, #tpu.memory_space<vmem>>[vector<16xi32>], vector<16xf32>,
      %dma_wait3A_310 = arith.constant 5 : i32
      %dma_wait3A_311 = arith.constant 0 : i32
      %dma_wait3A_312 = tpu.memref_slice %arg8[%dma_wait3A_310, %dma_wait3A_311] : memref<8x128xi32, #tpu.memory_space<vmem>> -> memref<1x128xi32, #tpu.memory_space<vmem>>
      %dma_wait3A_313 = tpu.memref_squeeze %dma_wait3A_312 : memref<1x128xi32, #tpu.memory_space<vmem>> -> memref<128xi32, #tpu.memory_space<vmem>>
      %dma_wait3A_314 = arith.constant 0 : i32
      %dma_wait3A_315 = arith.constant 0 : i32
      %dma_wait3A_316 = tpu.memref_slice %arg2[%dma_wait3A_314, %dma_wait3A_315] : memref<10000x128xf32, #tpu.memory_space<hbm>> -> memref<10000x128xf32, #tpu.memory_space<hbm>>
      tpu.wait_indirect_dma semaphore(%arg14 : memref<!tpu.dma_semaphore, #tpu.memory_space<semaphore_mem>>) src(%dma_wait3A_316 : memref<10000x128xf32, #tpu.memory_space<hbm>>) dst(%arg11 : memref<128x128xf32, #tpu.memory_space<vmem>>)
      %run_scoped3A_317 = arith.constant 5 : i32
      "tpu.region"() ({
        %run_scoped3A_405 = tpu.sem_alloc : memref<!tpu.dma_semaphore, #tpu.memory_space<semaphore_mem>>
        %dma_start3A_406 = arith.constant 0 : i32
        %dma_start3A_407 = tpu.memref_slice %arg9[%run_scoped3A_317, %dma_start3A_406] : memref<8x128xi32, #tpu.memory_space<vmem>> -> memref<1x128xi32, #tpu.memory_space<vmem>>
        %dma_start3A_408 = tpu.memref_squeeze %dma_start3A_407 : memref<1x128xi32, #tpu.memory_space<vmem>> -> memref<128xi32, #tpu.memory_space<vmem>>
        %dma_start3A_409 = arith.constant 0 : i32
        %dma_start3A_410 = arith.constant 0 : i32
        %dma_start3A_411 = tpu.memref_slice %arg12[%dma_start3A_409, %dma_start3A_410] : memref<10240x128xf32, #tpu.memory_space<vmem_shared>> -> memref<10240x128xf32, #tpu.memory_space<vmem_shared>>
        tpu.enqueue_indirect_dma source(%arg11 : memref<128x128xf32, #tpu.memory_space<vmem>>) target(%dma_start3A_411 : memref<10240x128xf32, #tpu.memory_space<vmem_shared>>) offsets(%dma_start3A_408 : memref<128xi32, #tpu.memory_space<vmem>>) semaphore(%run_scoped3A_405 : memref<!tpu.dma_semaphore, #tpu.memory_space<semaphore_mem>>) {add = true}
        %dma_wait3A_412 = arith.constant 0 : i32
        %dma_wait3A_413 = tpu.memref_slice %arg9[%run_scoped3A_317, %dma_wait3A_412] : memref<8x128xi32, #tpu.memory_space<vmem>> -> memref<1x128xi32, #tpu.memory_space<vmem>>
        %dma_wait3A_414 = tpu.memref_squeeze %dma_wait3A_413 : memref<1x128xi32, #tpu.memory_space<vmem>> -> memref<128xi32, #tpu.memory_space<vmem>>
        %dma_wait3A_415 = arith.constant 0 : i32
        %dma_wait3A_416 = arith.constant 0 : i32
        %dma_wait3A_417 = tpu.memref_slice %arg12[%dma_wait3A_415, %dma_wait3A_416] : memref<10240x128xf32, #tpu.memory_space<vmem_shared>> -> memref<10240x128xf32, #tpu.memory_space<vmem_shared>>
        tpu.wait_indirect_dma semaphore(%run_scoped3A_405 : memref<!tpu.dma_semaphore, #tpu.memory_space<semaphore_mem>>) src(%arg11 : memref<128x128xf32, #tpu.memory_space<vmem>>) dst(%dma_wait3A_417 : memref<10240x128xf32, #tpu.memory_space<vmem_shared>>)
        tpu.yield
      }) : () -> ()
      %dma_start3A_318 = arith.constant 7 : i32
      %dma_start3A_319 = arith.constant 0 : i32
      %dma_start3A_320 = tpu.memref_slice %arg8[%dma_start3A_318, %dma_start3A_319] : memref<8x128xi32, #tpu.memory_space<vmem>> -> memref<1x128xi32, #tpu.memory_space<vmem>>
      %dma_start3A_321 = tpu.memref_squeeze %dma_start3A_320 : memref<1x128xi32, #tpu.memory_space<vmem>> -> memref<128xi32, #tpu.memory_space<vmem>>
      %dma_start3A_322 = arith.constant 0 : i32
      %dma_start3A_323 = arith.constant 0 : i32
      %dma_start3A_324 = tpu.memref_slice %arg2[%dma_start3A_322, %dma_start3A_323] : memref<10000x128xf32, #tpu.memory_space<hbm>> -> memref<10000x128xf32, #tpu.memory_space<hbm>>
      tpu.enqueue_indirect_dma source(%dma_start3A_324 : memref<10000x128xf32, #tpu.memory_space<hbm>>) target(%arg11 : memref<128x128xf32, #tpu.memory_space<vmem>>) offsets(%dma_start3A_321 : memref<128xi32, #tpu.memory_space<vmem>>) semaphore(%arg14 : memref<!tpu.dma_semaphore, #tpu.memory_space<semaphore_mem>>)
      %get3A_325 = arith.constant 6 : i32
      %get3A_326 = arith.index_cast %get3A_325 : i32 to index
      %get3A_327 = arith.constant 0 : index
      %get3A_328 = tpu.vector_load %arg9[%get3A_326, %get3A_327] {strides = array<i32>} : memref<8x128xi32, #tpu.memory_space<vmem>>, vector<16xi32>,
      tpu.vector_store_idx %arg15[%get3A_328], %broadcast_in_dim3A_14 {add = true} : memref<10016xf32, #tpu.memory_space<vmem>>[vector<16xi32>], vector<16xf32>,
      %get3A_329 = arith.constant 6 : i32
      %get3A_330 = arith.index_cast %get3A_329 : i32 to index
      %get3A_331 = arith.constant 16 : index
      %get3A_332 = tpu.vector_load %arg9[%get3A_330, %get3A_331] {strides = array<i32>} : memref<8x128xi32, #tpu.memory_space<vmem>>, vector<16xi32>,
      tpu.vector_store_idx %arg15[%get3A_332], %broadcast_in_dim3A_14 {add = true} : memref<10016xf32, #tpu.memory_space<vmem>>[vector<16xi32>], vector<16xf32>,
      %get3A_333 = arith.constant 6 : i32
      %get3A_334 = arith.index_cast %get3A_333 : i32 to index
      %get3A_335 = arith.constant 32 : index
      %get3A_336 = tpu.vector_load %arg9[%get3A_334, %get3A_335] {strides = array<i32>} : memref<8x128xi32, #tpu.memory_space<vmem>>, vector<16xi32>,
      tpu.vector_store_idx %arg15[%get3A_336], %broadcast_in_dim3A_14 {add = true} : memref<10016xf32, #tpu.memory_space<vmem>>[vector<16xi32>], vector<16xf32>,
      %get3A_337 = arith.constant 6 : i32
      %get3A_338 = arith.index_cast %get3A_337 : i32 to index
      %get3A_339 = arith.constant 48 : index
      %get3A_340 = tpu.vector_load %arg9[%get3A_338, %get3A_339] {strides = array<i32>} : memref<8x128xi32, #tpu.memory_space<vmem>>, vector<16xi32>,
      tpu.vector_store_idx %arg15[%get3A_340], %broadcast_in_dim3A_14 {add = true} : memref<10016xf32, #tpu.memory_space<vmem>>[vector<16xi32>], vector<16xf32>,
      %get3A_341 = arith.constant 6 : i32
      %get3A_342 = arith.index_cast %get3A_341 : i32 to index
      %get3A_343 = arith.constant 64 : index
      %get3A_344 = tpu.vector_load %arg9[%get3A_342, %get3A_343] {strides = array<i32>} : memref<8x128xi32, #tpu.memory_space<vmem>>, vector<16xi32>,
      tpu.vector_store_idx %arg15[%get3A_344], %broadcast_in_dim3A_14 {add = true} : memref<10016xf32, #tpu.memory_space<vmem>>[vector<16xi32>], vector<16xf32>,
      %get3A_345 = arith.constant 6 : i32
      %get3A_346 = arith.index_cast %get3A_345 : i32 to index
      %get3A_347 = arith.constant 80 : index
      %get3A_348 = tpu.vector_load %arg9[%get3A_346, %get3A_347] {strides = array<i32>} : memref<8x128xi32, #tpu.memory_space<vmem>>, vector<16xi32>,
      tpu.vector_store_idx %arg15[%get3A_348], %broadcast_in_dim3A_14 {add = true} : memref<10016xf32, #tpu.memory_space<vmem>>[vector<16xi32>], vector<16xf32>,
      %get3A_349 = arith.constant 6 : i32
      %get3A_350 = arith.index_cast %get3A_349 : i32 to index
      %get3A_351 = arith.constant 96 : index
      %get3A_352 = tpu.vector_load %arg9[%get3A_350, %get3A_351] {strides = array<i32>} : memref<8x128xi32, #tpu.memory_space<vmem>>, vector<16xi32>,
      tpu.vector_store_idx %arg15[%get3A_352], %broadcast_in_dim3A_14 {add = true} : memref<10016xf32, #tpu.memory_space<vmem>>[vector<16xi32>], vector<16xf32>,
      %get3A_353 = arith.constant 6 : i32
      %get3A_354 = arith.index_cast %get3A_353 : i32 to index
      %get3A_355 = arith.constant 112 : index
      %get3A_356 = tpu.vector_load %arg9[%get3A_354, %get3A_355] {strides = array<i32>} : memref<8x128xi32, #tpu.memory_space<vmem>>, vector<16xi32>,
      tpu.vector_store_idx %arg15[%get3A_356], %broadcast_in_dim3A_14 {add = true} : memref<10016xf32, #tpu.memory_space<vmem>>[vector<16xi32>], vector<16xf32>,
      %dma_wait3A_357 = arith.constant 6 : i32
      %dma_wait3A_358 = arith.constant 0 : i32
      %dma_wait3A_359 = tpu.memref_slice %arg8[%dma_wait3A_357, %dma_wait3A_358] : memref<8x128xi32, #tpu.memory_space<vmem>> -> memref<1x128xi32, #tpu.memory_space<vmem>>
      %dma_wait3A_360 = tpu.memref_squeeze %dma_wait3A_359 : memref<1x128xi32, #tpu.memory_space<vmem>> -> memref<128xi32, #tpu.memory_space<vmem>>
      %dma_wait3A_361 = arith.constant 0 : i32
      %dma_wait3A_362 = arith.constant 0 : i32
      %dma_wait3A_363 = tpu.memref_slice %arg2[%dma_wait3A_361, %dma_wait3A_362] : memref<10000x128xf32, #tpu.memory_space<hbm>> -> memref<10000x128xf32, #tpu.memory_space<hbm>>
      tpu.wait_indirect_dma semaphore(%arg13 : memref<!tpu.dma_semaphore, #tpu.memory_space<semaphore_mem>>) src(%dma_wait3A_363 : memref<10000x128xf32, #tpu.memory_space<hbm>>) dst(%arg10 : memref<128x128xf32, #tpu.memory_space<vmem>>)
      %run_scoped3A_364 = arith.constant 6 : i32
      "tpu.region"() ({
        %run_scoped3A_405 = tpu.sem_alloc : memref<!tpu.dma_semaphore, #tpu.memory_space<semaphore_mem>>
        %dma_start3A_406 = arith.constant 0 : i32
        %dma_start3A_407 = tpu.memref_slice %arg9[%run_scoped3A_364, %dma_start3A_406] : memref<8x128xi32, #tpu.memory_space<vmem>> -> memref<1x128xi32, #tpu.memory_space<vmem>>
        %dma_start3A_408 = tpu.memref_squeeze %dma_start3A_407 : memref<1x128xi32, #tpu.memory_space<vmem>> -> memref<128xi32, #tpu.memory_space<vmem>>
        %dma_start3A_409 = arith.constant 0 : i32
        %dma_start3A_410 = arith.constant 0 : i32
        %dma_start3A_411 = tpu.memref_slice %arg12[%dma_start3A_409, %dma_start3A_410] : memref<10240x128xf32, #tpu.memory_space<vmem_shared>> -> memref<10240x128xf32, #tpu.memory_space<vmem_shared>>
        tpu.enqueue_indirect_dma source(%arg10 : memref<128x128xf32, #tpu.memory_space<vmem>>) target(%dma_start3A_411 : memref<10240x128xf32, #tpu.memory_space<vmem_shared>>) offsets(%dma_start3A_408 : memref<128xi32, #tpu.memory_space<vmem>>) semaphore(%run_scoped3A_405 : memref<!tpu.dma_semaphore, #tpu.memory_space<semaphore_mem>>) {add = true}
        %dma_wait3A_412 = arith.constant 0 : i32
        %dma_wait3A_413 = tpu.memref_slice %arg9[%run_scoped3A_364, %dma_wait3A_412] : memref<8x128xi32, #tpu.memory_space<vmem>> -> memref<1x128xi32, #tpu.memory_space<vmem>>
        %dma_wait3A_414 = tpu.memref_squeeze %dma_wait3A_413 : memref<1x128xi32, #tpu.memory_space<vmem>> -> memref<128xi32, #tpu.memory_space<vmem>>
        %dma_wait3A_415 = arith.constant 0 : i32
        %dma_wait3A_416 = arith.constant 0 : i32
        %dma_wait3A_417 = tpu.memref_slice %arg12[%dma_wait3A_415, %dma_wait3A_416] : memref<10240x128xf32, #tpu.memory_space<vmem_shared>> -> memref<10240x128xf32, #tpu.memory_space<vmem_shared>>
        tpu.wait_indirect_dma semaphore(%run_scoped3A_405 : memref<!tpu.dma_semaphore, #tpu.memory_space<semaphore_mem>>) src(%arg10 : memref<128x128xf32, #tpu.memory_space<vmem>>) dst(%dma_wait3A_417 : memref<10240x128xf32, #tpu.memory_space<vmem_shared>>)
        tpu.yield
      }) : () -> ()
      %get3A_365 = arith.constant 7 : i32
      %get3A_366 = arith.index_cast %get3A_365 : i32 to index
      %get3A_367 = arith.constant 0 : index
      %get3A_368 = tpu.vector_load %arg9[%get3A_366, %get3A_367] {strides = array<i32>} : memref<8x128xi32, #tpu.memory_space<vmem>>, vector<16xi32>,
      tpu.vector_store_idx %arg15[%get3A_368], %broadcast_in_dim3A_14 {add = true} : memref<10016xf32, #tpu.memory_space<vmem>>[vector<16xi32>], vector<16xf32>,
      %get3A_369 = arith.constant 7 : i32
      %get3A_370 = arith.index_cast %get3A_369 : i32 to index
      %get3A_371 = arith.constant 16 : index
      %get3A_372 = tpu.vector_load %arg9[%get3A_370, %get3A_371] {strides = array<i32>} : memref<8x128xi32, #tpu.memory_space<vmem>>, vector<16xi32>,
      tpu.vector_store_idx %arg15[%get3A_372], %broadcast_in_dim3A_14 {add = true} : memref<10016xf32, #tpu.memory_space<vmem>>[vector<16xi32>], vector<16xf32>,
      %get3A_373 = arith.constant 7 : i32
      %get3A_374 = arith.index_cast %get3A_373 : i32 to index
      %get3A_375 = arith.constant 32 : index
      %get3A_376 = tpu.vector_load %arg9[%get3A_374, %get3A_375] {strides = array<i32>} : memref<8x128xi32, #tpu.memory_space<vmem>>, vector<16xi32>,
      tpu.vector_store_idx %arg15[%get3A_376], %broadcast_in_dim3A_14 {add = true} : memref<10016xf32, #tpu.memory_space<vmem>>[vector<16xi32>], vector<16xf32>,
      %get3A_377 = arith.constant 7 : i32
      %get3A_378 = arith.index_cast %get3A_377 : i32 to index
      %get3A_379 = arith.constant 48 : index
      %get3A_380 = tpu.vector_load %arg9[%get3A_378, %get3A_379] {strides = array<i32>} : memref<8x128xi32, #tpu.memory_space<vmem>>, vector<16xi32>,
      tpu.vector_store_idx %arg15[%get3A_380], %broadcast_in_dim3A_14 {add = true} : memref<10016xf32, #tpu.memory_space<vmem>>[vector<16xi32>], vector<16xf32>,
      %get3A_381 = arith.constant 7 : i32
      %get3A_382 = arith.index_cast %get3A_381 : i32 to index
      %get3A_383 = arith.constant 64 : index
      %get3A_384 = tpu.vector_load %arg9[%get3A_382, %get3A_383] {strides = array<i32>} : memref<8x128xi32, #tpu.memory_space<vmem>>, vector<16xi32>,
      tpu.vector_store_idx %arg15[%get3A_384], %broadcast_in_dim3A_14 {add = true} : memref<10016xf32, #tpu.memory_space<vmem>>[vector<16xi32>], vector<16xf32>,
      %get3A_385 = arith.constant 7 : i32
      %get3A_386 = arith.index_cast %get3A_385 : i32 to index
      %get3A_387 = arith.constant 80 : index
      %get3A_388 = tpu.vector_load %arg9[%get3A_386, %get3A_387] {strides = array<i32>} : memref<8x128xi32, #tpu.memory_space<vmem>>, vector<16xi32>,
      tpu.vector_store_idx %arg15[%get3A_388], %broadcast_in_dim3A_14 {add = true} : memref<10016xf32, #tpu.memory_space<vmem>>[vector<16xi32>], vector<16xf32>,
      %get3A_389 = arith.constant 7 : i32
      %get3A_390 = arith.index_cast %get3A_389 : i32 to index
      %get3A_391 = arith.constant 96 : index
      %get3A_392 = tpu.vector_load %arg9[%get3A_390, %get3A_391] {strides = array<i32>} : memref<8x128xi32, #tpu.memory_space<vmem>>, vector<16xi32>,
      tpu.vector_store_idx %arg15[%get3A_392], %broadcast_in_dim3A_14 {add = true} : memref<10016xf32, #tpu.memory_space<vmem>>[vector<16xi32>], vector<16xf32>,
      %get3A_393 = arith.constant 7 : i32
      %get3A_394 = arith.index_cast %get3A_393 : i32 to index
      %get3A_395 = arith.constant 112 : index
      %get3A_396 = tpu.vector_load %arg9[%get3A_394, %get3A_395] {strides = array<i32>} : memref<8x128xi32, #tpu.memory_space<vmem>>, vector<16xi32>,
      tpu.vector_store_idx %arg15[%get3A_396], %broadcast_in_dim3A_14 {add = true} : memref<10016xf32, #tpu.memory_space<vmem>>[vector<16xi32>], vector<16xf32>,
      %dma_wait3A_397 = arith.constant 7 : i32
      %dma_wait3A_398 = arith.constant 0 : i32
      %dma_wait3A_399 = tpu.memref_slice %arg8[%dma_wait3A_397, %dma_wait3A_398] : memref<8x128xi32, #tpu.memory_space<vmem>> -> memref<1x128xi32, #tpu.memory_space<vmem>>
      %dma_wait3A_400 = tpu.memref_squeeze %dma_wait3A_399 : memref<1x128xi32, #tpu.memory_space<vmem>> -> memref<128xi32, #tpu.memory_space<vmem>>
      %dma_wait3A_401 = arith.constant 0 : i32
      %dma_wait3A_402 = arith.constant 0 : i32
      %dma_wait3A_403 = tpu.memref_slice %arg2[%dma_wait3A_401, %dma_wait3A_402] : memref<10000x128xf32, #tpu.memory_space<hbm>> -> memref<10000x128xf32, #tpu.memory_space<hbm>>
      tpu.wait_indirect_dma semaphore(%arg14 : memref<!tpu.dma_semaphore, #tpu.memory_space<semaphore_mem>>) src(%dma_wait3A_403 : memref<10000x128xf32, #tpu.memory_space<hbm>>) dst(%arg11 : memref<128x128xf32, #tpu.memory_space<vmem>>)
      %run_scoped3A_404 = arith.constant 7 : i32
      "tpu.region"() ({
        %run_scoped3A_405 = tpu.sem_alloc : memref<!tpu.dma_semaphore, #tpu.memory_space<semaphore_mem>>
        %dma_start3A_406 = arith.constant 0 : i32
        %dma_start3A_407 = tpu.memref_slice %arg9[%run_scoped3A_404, %dma_start3A_406] : memref<8x128xi32, #tpu.memory_space<vmem>> -> memref<1x128xi32, #tpu.memory_space<vmem>>
        %dma_start3A_408 = tpu.memref_squeeze %dma_start3A_407 : memref<1x128xi32, #tpu.memory_space<vmem>> -> memref<128xi32, #tpu.memory_space<vmem>>
        %dma_start3A_409 = arith.constant 0 : i32
        %dma_start3A_410 = arith.constant 0 : i32
        %dma_start3A_411 = tpu.memref_slice %arg12[%dma_start3A_409, %dma_start3A_410] : memref<10240x128xf32, #tpu.memory_space<vmem_shared>> -> memref<10240x128xf32, #tpu.memory_space<vmem_shared>>
        tpu.enqueue_indirect_dma source(%arg11 : memref<128x128xf32, #tpu.memory_space<vmem>>) target(%dma_start3A_411 : memref<10240x128xf32, #tpu.memory_space<vmem_shared>>) offsets(%dma_start3A_408 : memref<128xi32, #tpu.memory_space<vmem>>) semaphore(%run_scoped3A_405 : memref<!tpu.dma_semaphore, #tpu.memory_space<semaphore_mem>>) {add = true}
        %dma_wait3A_412 = arith.constant 0 : i32
        %dma_wait3A_413 = tpu.memref_slice %arg9[%run_scoped3A_404, %dma_wait3A_412] : memref<8x128xi32, #tpu.memory_space<vmem>> -> memref<1x128xi32, #tpu.memory_space<vmem>>
        %dma_wait3A_414 = tpu.memref_squeeze %dma_wait3A_413 : memref<1x128xi32, #tpu.memory_space<vmem>> -> memref<128xi32, #tpu.memory_space<vmem>>
        %dma_wait3A_415 = arith.constant 0 : i32
        %dma_wait3A_416 = arith.constant 0 : i32
        %dma_wait3A_417 = tpu.memref_slice %arg12[%dma_wait3A_415, %dma_wait3A_416] : memref<10240x128xf32, #tpu.memory_space<vmem_shared>> -> memref<10240x128xf32, #tpu.memory_space<vmem_shared>>
        tpu.wait_indirect_dma semaphore(%run_scoped3A_405 : memref<!tpu.dma_semaphore, #tpu.memory_space<semaphore_mem>>) src(%arg11 : memref<128x128xf32, #tpu.memory_space<vmem>>) dst(%dma_wait3A_417 : memref<10240x128xf32, #tpu.memory_space<vmem_shared>>)
        tpu.yield
      }) : () -> ()
    }
    %scan3A_21 = arith.constant 10 : i32
    "tpu.trace_stop"() : () -> ()
    %barrier3A_22 = arith.constant 0 : index
    tpu.barrier barrier_id(%barrier3A_22)
    "tpu.trace_start"() <{level = 10 : i32, message = "writeout"}> : () -> ()
    "tpu.region"() ({
      %run_scoped3A = tpu.sem_alloc : memref<!tpu.dma_semaphore, #tpu.memory_space<semaphore_mem>>
      %dma_start3A = arith.constant 0 : i32
      %dma_start3A_25 = arith.constant 0 : i32
      %dma_start3A_26 = tpu.memref_slice %arg6[%arg0, %dma_start3A, %dma_start3A_25] : memref<2x10240x128xf32, #tpu.memory_space<hbm>> -> memref<1x10240x128xf32, #tpu.memory_space<hbm>>
      %dma_start3A_27 = tpu.memref_squeeze %dma_start3A_26 : memref<1x10240x128xf32, #tpu.memory_space<hbm>> -> memref<10240x128xf32, #tpu.memory_space<hbm>>
      %dma_start3A_28 = arith.constant 0 : i32
      %dma_start3A_29 = tpu.memref_slice %dma_start3A_27[%mul3A_2, %dma_start3A_28] : memref<10240x128xf32, #tpu.memory_space<hbm>> -> memref<640x128xf32, #tpu.memory_space<hbm>>
      %dma_start3A_30 = arith.constant 0 : i32
      %dma_start3A_31 = tpu.memref_slice %arg12[%mul3A_2, %dma_start3A_30] : memref<10240x128xf32, #tpu.memory_space<vmem_shared>> -> memref<640x128xf32, #tpu.memory_space<vmem_shared>>
      tpu.enqueue_dma source(%dma_start3A_31 : memref<640x128xf32, #tpu.memory_space<vmem_shared>>) target(%dma_start3A_29 : memref<640x128xf32, #tpu.memory_space<hbm>>) target_semaphore(%run_scoped3A : memref<!tpu.dma_semaphore, #tpu.memory_space<semaphore_mem>>)
      %dma_wait3A = arith.constant 0 : i32
      %dma_wait3A_32 = arith.constant 0 : i32
      %dma_wait3A_33 = tpu.memref_slice %arg6[%arg0, %dma_wait3A, %dma_wait3A_32] : memref<2x10240x128xf32, #tpu.memory_space<hbm>> -> memref<1x10240x128xf32, #tpu.memory_space<hbm>>
      %dma_wait3A_34 = tpu.memref_squeeze %dma_wait3A_33 : memref<1x10240x128xf32, #tpu.memory_space<hbm>> -> memref<10240x128xf32, #tpu.memory_space<hbm>>
      %dma_wait3A_35 = arith.constant 0 : i32
      %dma_wait3A_36 = tpu.memref_slice %dma_wait3A_34[%mul3A_2, %dma_wait3A_35] : memref<10240x128xf32, #tpu.memory_space<hbm>> -> memref<640x128xf32, #tpu.memory_space<hbm>>
      %dma_wait3A_37 = arith.constant 0 : i32
      %dma_wait3A_38 = tpu.memref_slice %arg12[%mul3A_2, %dma_wait3A_37] : memref<10240x128xf32, #tpu.memory_space<vmem_shared>> -> memref<640x128xf32, #tpu.memory_space<vmem_shared>>
      tpu.wait_dma2 semaphore(%run_scoped3A : memref<!tpu.dma_semaphore, #tpu.memory_space<semaphore_mem>>) src(%dma_wait3A_38 : memref<640x128xf32, #tpu.memory_space<vmem_shared>>) dst(%dma_wait3A_36 : memref<640x128xf32, #tpu.memory_space<hbm>>)
      tpu.yield
    }) : () -> ()
    %mul3A_23 = arith.constant 10016 : i32
    %mul3A_24 = arith.muli %add3A, %mul3A_23 : i32
    "tpu.region"() ({
      %run_scoped3A = tpu.sem_alloc : memref<!tpu.dma_semaphore, #tpu.memory_space<semaphore_mem>>
      %dma_start3A = tpu.memref_slice %arg7[%mul3A_24] : memref<320512xf32, #tpu.memory_space<hbm>> -> memref<10016xf32, #tpu.memory_space<hbm>>
      %dma_start3A_25 = tpu.memref_slice %arg7[%mul3A_24] : memref<320512xf32, #tpu.memory_space<hbm>> -> memref<10016xf32, #tpu.memory_space<hbm>>
      tpu.enqueue_dma source(%arg15 : memref<10016xf32, #tpu.memory_space<vmem>>) target(%dma_start3A_25 : memref<10016xf32, #tpu.memory_space<hbm>>) target_semaphore(%run_scoped3A : memref<!tpu.dma_semaphore, #tpu.memory_space<semaphore_mem>>)
      %dma_wait3A = tpu.memref_slice %arg7[%mul3A_24] : memref<320512xf32, #tpu.memory_space<hbm>> -> memref<10016xf32, #tpu.memory_space<hbm>>
      %dma_wait3A_26 = tpu.memref_slice %arg7[%mul3A_24] : memref<320512xf32, #tpu.memory_space<hbm>> -> memref<10016xf32, #tpu.memory_space<hbm>>
      tpu.wait_dma2 semaphore(%run_scoped3A : memref<!tpu.dma_semaphore, #tpu.memory_space<semaphore_mem>>) src(%arg15 : memref<10016xf32, #tpu.memory_space<vmem>>) dst(%dma_wait3A_26 : memref<10016xf32, #tpu.memory_space<hbm>>)
      tpu.yield
    }) : () -> ()
    "tpu.trace_stop"() : () -> ()
    return
  }
}

#map = affine_map<(d0, d1) -> (0, 0)>
#map1 = affine_map<(d0, d1) -> (0, 0, 0)>
module attributes {stable_mosaic.version = 14 : i64} {
  func.func @sc_agg(%arg0: i32, %arg1: i32, %arg2: memref<10000x128xf32, #tpu.memory_space<hbm>>, %arg3: memref<2560x128xi32, #tpu.memory_space<hbm>>, %arg4: memref<2560x128xi32, #tpu.memory_space<hbm>>, %arg5: memref<128x128xf32, #tpu.memory_space<hbm>>, %arg6: memref<2x10240x128xf32, #tpu.memory_space<hbm>>, %arg7: memref<8x128xi32, #tpu.memory_space<vmem>>, %arg8: memref<8x128xi32, #tpu.memory_space<vmem>>, %arg9: memref<128x128xf32, #tpu.memory_space<vmem>>, %arg10: memref<128x128xf32, #tpu.memory_space<vmem>>, %arg11: memref<10240x128xf32, #tpu.memory_space<vmem_shared>>, %arg12: memref<!tpu.dma_semaphore, #tpu.memory_space<semaphore_mem>>, %arg13: memref<!tpu.dma_semaphore, #tpu.memory_space<semaphore_mem>>) attributes {dimension_semantics = [#tpu.dimension_semantics<core_parallel>, #tpu.dimension_semantics<subcore_parallel>], iteration_bounds = array<i64: 2, 16>, scalar_prefetch = 0 : i64, scratch_operands = 7 : i64, tpu.core_type = #tpu.core_type<sc_vector_subcore>, window_params = [{transform_indices = #map}, {transform_indices = #map}, {transform_indices = #map}, {transform_indices = #map}, {transform_indices = #map1}]} {
    %mul3A = arith.constant 16 : i32
    %mul3A_0 = arith.muli %arg0, %mul3A : i32
    %add3A = arith.addi %mul3A_0, %arg1 : i32
    %mul3A_1 = arith.constant 640 : i32
    %mul3A_2 = arith.muli %arg1, %mul3A_1 : i32
    "tpu.trace_start"() <{level = 10 : i32, message = "zero_acc"}> : () -> ()
    "tpu.region"() ({
      %run_scoped3A = tpu.sem_alloc : memref<!tpu.dma_semaphore, #tpu.memory_space<semaphore_mem>>
      tpu.enqueue_dma source(%arg5 : memref<128x128xf32, #tpu.memory_space<hbm>>) target(%arg9 : memref<128x128xf32, #tpu.memory_space<vmem>>) target_semaphore(%run_scoped3A : memref<!tpu.dma_semaphore, #tpu.memory_space<semaphore_mem>>)
      tpu.wait_dma2 semaphore(%run_scoped3A : memref<!tpu.dma_semaphore, #tpu.memory_space<semaphore_mem>>) src(%arg5 : memref<128x128xf32, #tpu.memory_space<hbm>>) dst(%arg9 : memref<128x128xf32, #tpu.memory_space<vmem>>)
      tpu.yield
    }) : () -> ()
    %scan3A = arith.constant 0 : i32
    %scan3A_3 = arith.constant 5 : i32
    %scan3A_4 = arith.addi %scan3A, %scan3A_3 : i32
    %scan3A_5 = arith.constant 1 : i32
    scf.for %scan3A_15 = %scan3A to %scan3A_4 step %scan3A_5  : i32 {
      %mul3A_16 = arith.constant 1 : i32
      %mul3A_17 = arith.muli %scan3A_15, %mul3A_16 : i32
      %add3A_18 = arith.constant 0 : i32
      %add3A_19 = arith.addi %add3A_18, %mul3A_17 : i32
      %mul3A_20 = arith.constant 128 : i32
      %mul3A_21 = arith.muli %add3A_19, %mul3A_20 : i32
      %add3A_22 = arith.addi %mul3A_2, %mul3A_21 : i32
      "tpu.region"() ({
        %run_scoped3A = tpu.sem_alloc : memref<!tpu.dma_semaphore, #tpu.memory_space<semaphore_mem>>
        %dma_start3A = arith.constant 0 : i32
        %dma_start3A_23 = tpu.memref_slice %arg11[%add3A_22, %dma_start3A] : memref<10240x128xf32, #tpu.memory_space<vmem_shared>> -> memref<128x128xf32, #tpu.memory_space<vmem_shared>>
        %dma_start3A_24 = arith.constant 0 : i32
        %dma_start3A_25 = tpu.memref_slice %arg11[%add3A_22, %dma_start3A_24] : memref<10240x128xf32, #tpu.memory_space<vmem_shared>> -> memref<128x128xf32, #tpu.memory_space<vmem_shared>>
        tpu.enqueue_dma source(%arg9 : memref<128x128xf32, #tpu.memory_space<vmem>>) target(%dma_start3A_25 : memref<128x128xf32, #tpu.memory_space<vmem_shared>>) target_semaphore(%run_scoped3A : memref<!tpu.dma_semaphore, #tpu.memory_space<semaphore_mem>>)
        %dma_wait3A = arith.constant 0 : i32
        %dma_wait3A_26 = tpu.memref_slice %arg11[%add3A_22, %dma_wait3A] : memref<10240x128xf32, #tpu.memory_space<vmem_shared>> -> memref<128x128xf32, #tpu.memory_space<vmem_shared>>
        %dma_wait3A_27 = arith.constant 0 : i32
        %dma_wait3A_28 = tpu.memref_slice %arg11[%add3A_22, %dma_wait3A_27] : memref<10240x128xf32, #tpu.memory_space<vmem_shared>> -> memref<128x128xf32, #tpu.memory_space<vmem_shared>>
        tpu.wait_dma2 semaphore(%run_scoped3A : memref<!tpu.dma_semaphore, #tpu.memory_space<semaphore_mem>>) src(%arg9 : memref<128x128xf32, #tpu.memory_space<vmem>>) dst(%dma_wait3A_28 : memref<128x128xf32, #tpu.memory_space<vmem_shared>>)
        tpu.yield
      }) : () -> ()
    }
    %scan3A_6 = arith.constant 5 : i32
    "tpu.trace_stop"() : () -> ()
    %barrier3A = arith.constant 0 : index
    tpu.barrier barrier_id(%barrier3A)
    "tpu.trace_start"() <{level = 10 : i32, message = "edges"}> : () -> ()
    %mul3A_7 = arith.constant 10 : i32
    %mul3A_8 = arith.muli %add3A, %mul3A_7 : i32
    %scan3A_9 = arith.constant 0 : i32
    %scan3A_10 = arith.constant 10 : i32
    %scan3A_11 = arith.addi %scan3A_9, %scan3A_10 : i32
    %scan3A_12 = arith.constant 1 : i32
    scf.for %scan3A_15 = %scan3A_9 to %scan3A_11 step %scan3A_12  : i32 {
      %mul3A_16 = arith.constant 1 : i32
      %mul3A_17 = arith.muli %scan3A_15, %mul3A_16 : i32
      %add3A_18 = arith.constant 0 : i32
      %add3A_19 = arith.addi %add3A_18, %mul3A_17 : i32
      %add3A_20 = arith.addi %mul3A_8, %add3A_19 : i32
      %mul3A_21 = arith.constant 8 : i32
      %mul3A_22 = arith.muli %add3A_20, %mul3A_21 : i32
      "tpu.region"() ({
        %run_scoped3A_140 = tpu.sem_alloc : memref<!tpu.dma_semaphore, #tpu.memory_space<semaphore_mem>>
        %dma_start3A_141 = arith.constant 0 : i32
        %dma_start3A_142 = tpu.memref_slice %arg3[%mul3A_22, %dma_start3A_141] : memref<2560x128xi32, #tpu.memory_space<hbm>> -> memref<8x128xi32, #tpu.memory_space<hbm>>
        %dma_start3A_143 = arith.constant 0 : i32
        %dma_start3A_144 = tpu.memref_slice %arg3[%mul3A_22, %dma_start3A_143] : memref<2560x128xi32, #tpu.memory_space<hbm>> -> memref<8x128xi32, #tpu.memory_space<hbm>>
        tpu.enqueue_dma source(%dma_start3A_144 : memref<8x128xi32, #tpu.memory_space<hbm>>) target(%arg7 : memref<8x128xi32, #tpu.memory_space<vmem>>) target_semaphore(%run_scoped3A_140 : memref<!tpu.dma_semaphore, #tpu.memory_space<semaphore_mem>>)
        %dma_wait3A_145 = arith.constant 0 : i32
        %dma_wait3A_146 = tpu.memref_slice %arg3[%mul3A_22, %dma_wait3A_145] : memref<2560x128xi32, #tpu.memory_space<hbm>> -> memref<8x128xi32, #tpu.memory_space<hbm>>
        %dma_wait3A_147 = arith.constant 0 : i32
        %dma_wait3A_148 = tpu.memref_slice %arg3[%mul3A_22, %dma_wait3A_147] : memref<2560x128xi32, #tpu.memory_space<hbm>> -> memref<8x128xi32, #tpu.memory_space<hbm>>
        tpu.wait_dma2 semaphore(%run_scoped3A_140 : memref<!tpu.dma_semaphore, #tpu.memory_space<semaphore_mem>>) src(%dma_wait3A_148 : memref<8x128xi32, #tpu.memory_space<hbm>>) dst(%arg7 : memref<8x128xi32, #tpu.memory_space<vmem>>)
        tpu.yield
      }) : () -> ()
      "tpu.region"() ({
        %run_scoped3A_140 = tpu.sem_alloc : memref<!tpu.dma_semaphore, #tpu.memory_space<semaphore_mem>>
        %dma_start3A_141 = arith.constant 0 : i32
        %dma_start3A_142 = tpu.memref_slice %arg4[%mul3A_22, %dma_start3A_141] : memref<2560x128xi32, #tpu.memory_space<hbm>> -> memref<8x128xi32, #tpu.memory_space<hbm>>
        %dma_start3A_143 = arith.constant 0 : i32
        %dma_start3A_144 = tpu.memref_slice %arg4[%mul3A_22, %dma_start3A_143] : memref<2560x128xi32, #tpu.memory_space<hbm>> -> memref<8x128xi32, #tpu.memory_space<hbm>>
        tpu.enqueue_dma source(%dma_start3A_144 : memref<8x128xi32, #tpu.memory_space<hbm>>) target(%arg8 : memref<8x128xi32, #tpu.memory_space<vmem>>) target_semaphore(%run_scoped3A_140 : memref<!tpu.dma_semaphore, #tpu.memory_space<semaphore_mem>>)
        %dma_wait3A_145 = arith.constant 0 : i32
        %dma_wait3A_146 = tpu.memref_slice %arg4[%mul3A_22, %dma_wait3A_145] : memref<2560x128xi32, #tpu.memory_space<hbm>> -> memref<8x128xi32, #tpu.memory_space<hbm>>
        %dma_wait3A_147 = arith.constant 0 : i32
        %dma_wait3A_148 = tpu.memref_slice %arg4[%mul3A_22, %dma_wait3A_147] : memref<2560x128xi32, #tpu.memory_space<hbm>> -> memref<8x128xi32, #tpu.memory_space<hbm>>
        tpu.wait_dma2 semaphore(%run_scoped3A_140 : memref<!tpu.dma_semaphore, #tpu.memory_space<semaphore_mem>>) src(%dma_wait3A_148 : memref<8x128xi32, #tpu.memory_space<hbm>>) dst(%arg8 : memref<8x128xi32, #tpu.memory_space<vmem>>)
        tpu.yield
      }) : () -> ()
      %dma_start3A = arith.constant 0 : i32
      %dma_start3A_23 = arith.constant 0 : i32
      %dma_start3A_24 = tpu.memref_slice %arg7[%dma_start3A, %dma_start3A_23] : memref<8x128xi32, #tpu.memory_space<vmem>> -> memref<1x128xi32, #tpu.memory_space<vmem>>
      %dma_start3A_25 = tpu.memref_squeeze %dma_start3A_24 : memref<1x128xi32, #tpu.memory_space<vmem>> -> memref<128xi32, #tpu.memory_space<vmem>>
      %dma_start3A_26 = arith.constant 0 : i32
      %dma_start3A_27 = arith.constant 0 : i32
      %dma_start3A_28 = tpu.memref_slice %arg2[%dma_start3A_26, %dma_start3A_27] : memref<10000x128xf32, #tpu.memory_space<hbm>> -> memref<10000x128xf32, #tpu.memory_space<hbm>>
      tpu.enqueue_indirect_dma source(%dma_start3A_28 : memref<10000x128xf32, #tpu.memory_space<hbm>>) target(%arg9 : memref<128x128xf32, #tpu.memory_space<vmem>>) offsets(%dma_start3A_25 : memref<128xi32, #tpu.memory_space<vmem>>) semaphore(%arg12 : memref<!tpu.dma_semaphore, #tpu.memory_space<semaphore_mem>>)
      %dma_start3A_29 = arith.constant 1 : i32
      %dma_start3A_30 = arith.constant 0 : i32
      %dma_start3A_31 = tpu.memref_slice %arg7[%dma_start3A_29, %dma_start3A_30] : memref<8x128xi32, #tpu.memory_space<vmem>> -> memref<1x128xi32, #tpu.memory_space<vmem>>
      %dma_start3A_32 = tpu.memref_squeeze %dma_start3A_31 : memref<1x128xi32, #tpu.memory_space<vmem>> -> memref<128xi32, #tpu.memory_space<vmem>>
      %dma_start3A_33 = arith.constant 0 : i32
      %dma_start3A_34 = arith.constant 0 : i32
      %dma_start3A_35 = tpu.memref_slice %arg2[%dma_start3A_33, %dma_start3A_34] : memref<10000x128xf32, #tpu.memory_space<hbm>> -> memref<10000x128xf32, #tpu.memory_space<hbm>>
      tpu.enqueue_indirect_dma source(%dma_start3A_35 : memref<10000x128xf32, #tpu.memory_space<hbm>>) target(%arg10 : memref<128x128xf32, #tpu.memory_space<vmem>>) offsets(%dma_start3A_32 : memref<128xi32, #tpu.memory_space<vmem>>) semaphore(%arg13 : memref<!tpu.dma_semaphore, #tpu.memory_space<semaphore_mem>>)
      %dma_wait3A = arith.constant 0 : i32
      %dma_wait3A_36 = arith.constant 0 : i32
      %dma_wait3A_37 = tpu.memref_slice %arg7[%dma_wait3A, %dma_wait3A_36] : memref<8x128xi32, #tpu.memory_space<vmem>> -> memref<1x128xi32, #tpu.memory_space<vmem>>
      %dma_wait3A_38 = tpu.memref_squeeze %dma_wait3A_37 : memref<1x128xi32, #tpu.memory_space<vmem>> -> memref<128xi32, #tpu.memory_space<vmem>>
      %dma_wait3A_39 = arith.constant 0 : i32
      %dma_wait3A_40 = arith.constant 0 : i32
      %dma_wait3A_41 = tpu.memref_slice %arg2[%dma_wait3A_39, %dma_wait3A_40] : memref<10000x128xf32, #tpu.memory_space<hbm>> -> memref<10000x128xf32, #tpu.memory_space<hbm>>
      tpu.wait_indirect_dma semaphore(%arg12 : memref<!tpu.dma_semaphore, #tpu.memory_space<semaphore_mem>>) src(%dma_wait3A_41 : memref<10000x128xf32, #tpu.memory_space<hbm>>) dst(%arg9 : memref<128x128xf32, #tpu.memory_space<vmem>>)
      %run_scoped3A = arith.constant 0 : i32
      "tpu.region"() ({
        %run_scoped3A_140 = tpu.sem_alloc : memref<!tpu.dma_semaphore, #tpu.memory_space<semaphore_mem>>
        %dma_start3A_141 = arith.constant 0 : i32
        %dma_start3A_142 = tpu.memref_slice %arg8[%run_scoped3A, %dma_start3A_141] : memref<8x128xi32, #tpu.memory_space<vmem>> -> memref<1x128xi32, #tpu.memory_space<vmem>>
        %dma_start3A_143 = tpu.memref_squeeze %dma_start3A_142 : memref<1x128xi32, #tpu.memory_space<vmem>> -> memref<128xi32, #tpu.memory_space<vmem>>
        %dma_start3A_144 = arith.constant 0 : i32
        %dma_start3A_145 = arith.constant 0 : i32
        %dma_start3A_146 = tpu.memref_slice %arg11[%dma_start3A_144, %dma_start3A_145] : memref<10240x128xf32, #tpu.memory_space<vmem_shared>> -> memref<10240x128xf32, #tpu.memory_space<vmem_shared>>
        tpu.enqueue_indirect_dma source(%arg9 : memref<128x128xf32, #tpu.memory_space<vmem>>) target(%dma_start3A_146 : memref<10240x128xf32, #tpu.memory_space<vmem_shared>>) offsets(%dma_start3A_143 : memref<128xi32, #tpu.memory_space<vmem>>) semaphore(%run_scoped3A_140 : memref<!tpu.dma_semaphore, #tpu.memory_space<semaphore_mem>>) {add = true}
        %dma_wait3A_147 = arith.constant 0 : i32
        %dma_wait3A_148 = tpu.memref_slice %arg8[%run_scoped3A, %dma_wait3A_147] : memref<8x128xi32, #tpu.memory_space<vmem>> -> memref<1x128xi32, #tpu.memory_space<vmem>>
        %dma_wait3A_149 = tpu.memref_squeeze %dma_wait3A_148 : memref<1x128xi32, #tpu.memory_space<vmem>> -> memref<128xi32, #tpu.memory_space<vmem>>
        %dma_wait3A_150 = arith.constant 0 : i32
        %dma_wait3A_151 = arith.constant 0 : i32
        %dma_wait3A_152 = tpu.memref_slice %arg11[%dma_wait3A_150, %dma_wait3A_151] : memref<10240x128xf32, #tpu.memory_space<vmem_shared>> -> memref<10240x128xf32, #tpu.memory_space<vmem_shared>>
        tpu.wait_indirect_dma semaphore(%run_scoped3A_140 : memref<!tpu.dma_semaphore, #tpu.memory_space<semaphore_mem>>) src(%arg9 : memref<128x128xf32, #tpu.memory_space<vmem>>) dst(%dma_wait3A_152 : memref<10240x128xf32, #tpu.memory_space<vmem_shared>>)
        tpu.yield
      }) : () -> ()
      %dma_start3A_42 = arith.constant 2 : i32
      %dma_start3A_43 = arith.constant 0 : i32
      %dma_start3A_44 = tpu.memref_slice %arg7[%dma_start3A_42, %dma_start3A_43] : memref<8x128xi32, #tpu.memory_space<vmem>> -> memref<1x128xi32, #tpu.memory_space<vmem>>
      %dma_start3A_45 = tpu.memref_squeeze %dma_start3A_44 : memref<1x128xi32, #tpu.memory_space<vmem>> -> memref<128xi32, #tpu.memory_space<vmem>>
      %dma_start3A_46 = arith.constant 0 : i32
      %dma_start3A_47 = arith.constant 0 : i32
      %dma_start3A_48 = tpu.memref_slice %arg2[%dma_start3A_46, %dma_start3A_47] : memref<10000x128xf32, #tpu.memory_space<hbm>> -> memref<10000x128xf32, #tpu.memory_space<hbm>>
      tpu.enqueue_indirect_dma source(%dma_start3A_48 : memref<10000x128xf32, #tpu.memory_space<hbm>>) target(%arg9 : memref<128x128xf32, #tpu.memory_space<vmem>>) offsets(%dma_start3A_45 : memref<128xi32, #tpu.memory_space<vmem>>) semaphore(%arg12 : memref<!tpu.dma_semaphore, #tpu.memory_space<semaphore_mem>>)
      %dma_wait3A_49 = arith.constant 1 : i32
      %dma_wait3A_50 = arith.constant 0 : i32
      %dma_wait3A_51 = tpu.memref_slice %arg7[%dma_wait3A_49, %dma_wait3A_50] : memref<8x128xi32, #tpu.memory_space<vmem>> -> memref<1x128xi32, #tpu.memory_space<vmem>>
      %dma_wait3A_52 = tpu.memref_squeeze %dma_wait3A_51 : memref<1x128xi32, #tpu.memory_space<vmem>> -> memref<128xi32, #tpu.memory_space<vmem>>
      %dma_wait3A_53 = arith.constant 0 : i32
      %dma_wait3A_54 = arith.constant 0 : i32
      %dma_wait3A_55 = tpu.memref_slice %arg2[%dma_wait3A_53, %dma_wait3A_54] : memref<10000x128xf32, #tpu.memory_space<hbm>> -> memref<10000x128xf32, #tpu.memory_space<hbm>>
      tpu.wait_indirect_dma semaphore(%arg13 : memref<!tpu.dma_semaphore, #tpu.memory_space<semaphore_mem>>) src(%dma_wait3A_55 : memref<10000x128xf32, #tpu.memory_space<hbm>>) dst(%arg10 : memref<128x128xf32, #tpu.memory_space<vmem>>)
      %run_scoped3A_56 = arith.constant 1 : i32
      "tpu.region"() ({
        %run_scoped3A_140 = tpu.sem_alloc : memref<!tpu.dma_semaphore, #tpu.memory_space<semaphore_mem>>
        %dma_start3A_141 = arith.constant 0 : i32
        %dma_start3A_142 = tpu.memref_slice %arg8[%run_scoped3A_56, %dma_start3A_141] : memref<8x128xi32, #tpu.memory_space<vmem>> -> memref<1x128xi32, #tpu.memory_space<vmem>>
        %dma_start3A_143 = tpu.memref_squeeze %dma_start3A_142 : memref<1x128xi32, #tpu.memory_space<vmem>> -> memref<128xi32, #tpu.memory_space<vmem>>
        %dma_start3A_144 = arith.constant 0 : i32
        %dma_start3A_145 = arith.constant 0 : i32
        %dma_start3A_146 = tpu.memref_slice %arg11[%dma_start3A_144, %dma_start3A_145] : memref<10240x128xf32, #tpu.memory_space<vmem_shared>> -> memref<10240x128xf32, #tpu.memory_space<vmem_shared>>
        tpu.enqueue_indirect_dma source(%arg10 : memref<128x128xf32, #tpu.memory_space<vmem>>) target(%dma_start3A_146 : memref<10240x128xf32, #tpu.memory_space<vmem_shared>>) offsets(%dma_start3A_143 : memref<128xi32, #tpu.memory_space<vmem>>) semaphore(%run_scoped3A_140 : memref<!tpu.dma_semaphore, #tpu.memory_space<semaphore_mem>>) {add = true}
        %dma_wait3A_147 = arith.constant 0 : i32
        %dma_wait3A_148 = tpu.memref_slice %arg8[%run_scoped3A_56, %dma_wait3A_147] : memref<8x128xi32, #tpu.memory_space<vmem>> -> memref<1x128xi32, #tpu.memory_space<vmem>>
        %dma_wait3A_149 = tpu.memref_squeeze %dma_wait3A_148 : memref<1x128xi32, #tpu.memory_space<vmem>> -> memref<128xi32, #tpu.memory_space<vmem>>
        %dma_wait3A_150 = arith.constant 0 : i32
        %dma_wait3A_151 = arith.constant 0 : i32
        %dma_wait3A_152 = tpu.memref_slice %arg11[%dma_wait3A_150, %dma_wait3A_151] : memref<10240x128xf32, #tpu.memory_space<vmem_shared>> -> memref<10240x128xf32, #tpu.memory_space<vmem_shared>>
        tpu.wait_indirect_dma semaphore(%run_scoped3A_140 : memref<!tpu.dma_semaphore, #tpu.memory_space<semaphore_mem>>) src(%arg10 : memref<128x128xf32, #tpu.memory_space<vmem>>) dst(%dma_wait3A_152 : memref<10240x128xf32, #tpu.memory_space<vmem_shared>>)
        tpu.yield
      }) : () -> ()
      %dma_start3A_57 = arith.constant 3 : i32
      %dma_start3A_58 = arith.constant 0 : i32
      %dma_start3A_59 = tpu.memref_slice %arg7[%dma_start3A_57, %dma_start3A_58] : memref<8x128xi32, #tpu.memory_space<vmem>> -> memref<1x128xi32, #tpu.memory_space<vmem>>
      %dma_start3A_60 = tpu.memref_squeeze %dma_start3A_59 : memref<1x128xi32, #tpu.memory_space<vmem>> -> memref<128xi32, #tpu.memory_space<vmem>>
      %dma_start3A_61 = arith.constant 0 : i32
      %dma_start3A_62 = arith.constant 0 : i32
      %dma_start3A_63 = tpu.memref_slice %arg2[%dma_start3A_61, %dma_start3A_62] : memref<10000x128xf32, #tpu.memory_space<hbm>> -> memref<10000x128xf32, #tpu.memory_space<hbm>>
      tpu.enqueue_indirect_dma source(%dma_start3A_63 : memref<10000x128xf32, #tpu.memory_space<hbm>>) target(%arg10 : memref<128x128xf32, #tpu.memory_space<vmem>>) offsets(%dma_start3A_60 : memref<128xi32, #tpu.memory_space<vmem>>) semaphore(%arg13 : memref<!tpu.dma_semaphore, #tpu.memory_space<semaphore_mem>>)
      %dma_wait3A_64 = arith.constant 2 : i32
      %dma_wait3A_65 = arith.constant 0 : i32
      %dma_wait3A_66 = tpu.memref_slice %arg7[%dma_wait3A_64, %dma_wait3A_65] : memref<8x128xi32, #tpu.memory_space<vmem>> -> memref<1x128xi32, #tpu.memory_space<vmem>>
      %dma_wait3A_67 = tpu.memref_squeeze %dma_wait3A_66 : memref<1x128xi32, #tpu.memory_space<vmem>> -> memref<128xi32, #tpu.memory_space<vmem>>
      %dma_wait3A_68 = arith.constant 0 : i32
      %dma_wait3A_69 = arith.constant 0 : i32
      %dma_wait3A_70 = tpu.memref_slice %arg2[%dma_wait3A_68, %dma_wait3A_69] : memref<10000x128xf32, #tpu.memory_space<hbm>> -> memref<10000x128xf32, #tpu.memory_space<hbm>>
      tpu.wait_indirect_dma semaphore(%arg12 : memref<!tpu.dma_semaphore, #tpu.memory_space<semaphore_mem>>) src(%dma_wait3A_70 : memref<10000x128xf32, #tpu.memory_space<hbm>>) dst(%arg9 : memref<128x128xf32, #tpu.memory_space<vmem>>)
      %run_scoped3A_71 = arith.constant 2 : i32
      "tpu.region"() ({
        %run_scoped3A_140 = tpu.sem_alloc : memref<!tpu.dma_semaphore, #tpu.memory_space<semaphore_mem>>
        %dma_start3A_141 = arith.constant 0 : i32
        %dma_start3A_142 = tpu.memref_slice %arg8[%run_scoped3A_71, %dma_start3A_141] : memref<8x128xi32, #tpu.memory_space<vmem>> -> memref<1x128xi32, #tpu.memory_space<vmem>>
        %dma_start3A_143 = tpu.memref_squeeze %dma_start3A_142 : memref<1x128xi32, #tpu.memory_space<vmem>> -> memref<128xi32, #tpu.memory_space<vmem>>
        %dma_start3A_144 = arith.constant 0 : i32
        %dma_start3A_145 = arith.constant 0 : i32
        %dma_start3A_146 = tpu.memref_slice %arg11[%dma_start3A_144, %dma_start3A_145] : memref<10240x128xf32, #tpu.memory_space<vmem_shared>> -> memref<10240x128xf32, #tpu.memory_space<vmem_shared>>
        tpu.enqueue_indirect_dma source(%arg9 : memref<128x128xf32, #tpu.memory_space<vmem>>) target(%dma_start3A_146 : memref<10240x128xf32, #tpu.memory_space<vmem_shared>>) offsets(%dma_start3A_143 : memref<128xi32, #tpu.memory_space<vmem>>) semaphore(%run_scoped3A_140 : memref<!tpu.dma_semaphore, #tpu.memory_space<semaphore_mem>>) {add = true}
        %dma_wait3A_147 = arith.constant 0 : i32
        %dma_wait3A_148 = tpu.memref_slice %arg8[%run_scoped3A_71, %dma_wait3A_147] : memref<8x128xi32, #tpu.memory_space<vmem>> -> memref<1x128xi32, #tpu.memory_space<vmem>>
        %dma_wait3A_149 = tpu.memref_squeeze %dma_wait3A_148 : memref<1x128xi32, #tpu.memory_space<vmem>> -> memref<128xi32, #tpu.memory_space<vmem>>
        %dma_wait3A_150 = arith.constant 0 : i32
        %dma_wait3A_151 = arith.constant 0 : i32
        %dma_wait3A_152 = tpu.memref_slice %arg11[%dma_wait3A_150, %dma_wait3A_151] : memref<10240x128xf32, #tpu.memory_space<vmem_shared>> -> memref<10240x128xf32, #tpu.memory_space<vmem_shared>>
        tpu.wait_indirect_dma semaphore(%run_scoped3A_140 : memref<!tpu.dma_semaphore, #tpu.memory_space<semaphore_mem>>) src(%arg9 : memref<128x128xf32, #tpu.memory_space<vmem>>) dst(%dma_wait3A_152 : memref<10240x128xf32, #tpu.memory_space<vmem_shared>>)
        tpu.yield
      }) : () -> ()
      %dma_start3A_72 = arith.constant 4 : i32
      %dma_start3A_73 = arith.constant 0 : i32
      %dma_start3A_74 = tpu.memref_slice %arg7[%dma_start3A_72, %dma_start3A_73] : memref<8x128xi32, #tpu.memory_space<vmem>> -> memref<1x128xi32, #tpu.memory_space<vmem>>
      %dma_start3A_75 = tpu.memref_squeeze %dma_start3A_74 : memref<1x128xi32, #tpu.memory_space<vmem>> -> memref<128xi32, #tpu.memory_space<vmem>>
      %dma_start3A_76 = arith.constant 0 : i32
      %dma_start3A_77 = arith.constant 0 : i32
      %dma_start3A_78 = tpu.memref_slice %arg2[%dma_start3A_76, %dma_start3A_77] : memref<10000x128xf32, #tpu.memory_space<hbm>> -> memref<10000x128xf32, #tpu.memory_space<hbm>>
      tpu.enqueue_indirect_dma source(%dma_start3A_78 : memref<10000x128xf32, #tpu.memory_space<hbm>>) target(%arg9 : memref<128x128xf32, #tpu.memory_space<vmem>>) offsets(%dma_start3A_75 : memref<128xi32, #tpu.memory_space<vmem>>) semaphore(%arg12 : memref<!tpu.dma_semaphore, #tpu.memory_space<semaphore_mem>>)
      %dma_wait3A_79 = arith.constant 3 : i32
      %dma_wait3A_80 = arith.constant 0 : i32
      %dma_wait3A_81 = tpu.memref_slice %arg7[%dma_wait3A_79, %dma_wait3A_80] : memref<8x128xi32, #tpu.memory_space<vmem>> -> memref<1x128xi32, #tpu.memory_space<vmem>>
      %dma_wait3A_82 = tpu.memref_squeeze %dma_wait3A_81 : memref<1x128xi32, #tpu.memory_space<vmem>> -> memref<128xi32, #tpu.memory_space<vmem>>
      %dma_wait3A_83 = arith.constant 0 : i32
      %dma_wait3A_84 = arith.constant 0 : i32
      %dma_wait3A_85 = tpu.memref_slice %arg2[%dma_wait3A_83, %dma_wait3A_84] : memref<10000x128xf32, #tpu.memory_space<hbm>> -> memref<10000x128xf32, #tpu.memory_space<hbm>>
      tpu.wait_indirect_dma semaphore(%arg13 : memref<!tpu.dma_semaphore, #tpu.memory_space<semaphore_mem>>) src(%dma_wait3A_85 : memref<10000x128xf32, #tpu.memory_space<hbm>>) dst(%arg10 : memref<128x128xf32, #tpu.memory_space<vmem>>)
      %run_scoped3A_86 = arith.constant 3 : i32
      "tpu.region"() ({
        %run_scoped3A_140 = tpu.sem_alloc : memref<!tpu.dma_semaphore, #tpu.memory_space<semaphore_mem>>
        %dma_start3A_141 = arith.constant 0 : i32
        %dma_start3A_142 = tpu.memref_slice %arg8[%run_scoped3A_86, %dma_start3A_141] : memref<8x128xi32, #tpu.memory_space<vmem>> -> memref<1x128xi32, #tpu.memory_space<vmem>>
        %dma_start3A_143 = tpu.memref_squeeze %dma_start3A_142 : memref<1x128xi32, #tpu.memory_space<vmem>> -> memref<128xi32, #tpu.memory_space<vmem>>
        %dma_start3A_144 = arith.constant 0 : i32
        %dma_start3A_145 = arith.constant 0 : i32
        %dma_start3A_146 = tpu.memref_slice %arg11[%dma_start3A_144, %dma_start3A_145] : memref<10240x128xf32, #tpu.memory_space<vmem_shared>> -> memref<10240x128xf32, #tpu.memory_space<vmem_shared>>
        tpu.enqueue_indirect_dma source(%arg10 : memref<128x128xf32, #tpu.memory_space<vmem>>) target(%dma_start3A_146 : memref<10240x128xf32, #tpu.memory_space<vmem_shared>>) offsets(%dma_start3A_143 : memref<128xi32, #tpu.memory_space<vmem>>) semaphore(%run_scoped3A_140 : memref<!tpu.dma_semaphore, #tpu.memory_space<semaphore_mem>>) {add = true}
        %dma_wait3A_147 = arith.constant 0 : i32
        %dma_wait3A_148 = tpu.memref_slice %arg8[%run_scoped3A_86, %dma_wait3A_147] : memref<8x128xi32, #tpu.memory_space<vmem>> -> memref<1x128xi32, #tpu.memory_space<vmem>>
        %dma_wait3A_149 = tpu.memref_squeeze %dma_wait3A_148 : memref<1x128xi32, #tpu.memory_space<vmem>> -> memref<128xi32, #tpu.memory_space<vmem>>
        %dma_wait3A_150 = arith.constant 0 : i32
        %dma_wait3A_151 = arith.constant 0 : i32
        %dma_wait3A_152 = tpu.memref_slice %arg11[%dma_wait3A_150, %dma_wait3A_151] : memref<10240x128xf32, #tpu.memory_space<vmem_shared>> -> memref<10240x128xf32, #tpu.memory_space<vmem_shared>>
        tpu.wait_indirect_dma semaphore(%run_scoped3A_140 : memref<!tpu.dma_semaphore, #tpu.memory_space<semaphore_mem>>) src(%arg10 : memref<128x128xf32, #tpu.memory_space<vmem>>) dst(%dma_wait3A_152 : memref<10240x128xf32, #tpu.memory_space<vmem_shared>>)
        tpu.yield
      }) : () -> ()
      %dma_start3A_87 = arith.constant 5 : i32
      %dma_start3A_88 = arith.constant 0 : i32
      %dma_start3A_89 = tpu.memref_slice %arg7[%dma_start3A_87, %dma_start3A_88] : memref<8x128xi32, #tpu.memory_space<vmem>> -> memref<1x128xi32, #tpu.memory_space<vmem>>
      %dma_start3A_90 = tpu.memref_squeeze %dma_start3A_89 : memref<1x128xi32, #tpu.memory_space<vmem>> -> memref<128xi32, #tpu.memory_space<vmem>>
      %dma_start3A_91 = arith.constant 0 : i32
      %dma_start3A_92 = arith.constant 0 : i32
      %dma_start3A_93 = tpu.memref_slice %arg2[%dma_start3A_91, %dma_start3A_92] : memref<10000x128xf32, #tpu.memory_space<hbm>> -> memref<10000x128xf32, #tpu.memory_space<hbm>>
      tpu.enqueue_indirect_dma source(%dma_start3A_93 : memref<10000x128xf32, #tpu.memory_space<hbm>>) target(%arg10 : memref<128x128xf32, #tpu.memory_space<vmem>>) offsets(%dma_start3A_90 : memref<128xi32, #tpu.memory_space<vmem>>) semaphore(%arg13 : memref<!tpu.dma_semaphore, #tpu.memory_space<semaphore_mem>>)
      %dma_wait3A_94 = arith.constant 4 : i32
      %dma_wait3A_95 = arith.constant 0 : i32
      %dma_wait3A_96 = tpu.memref_slice %arg7[%dma_wait3A_94, %dma_wait3A_95] : memref<8x128xi32, #tpu.memory_space<vmem>> -> memref<1x128xi32, #tpu.memory_space<vmem>>
      %dma_wait3A_97 = tpu.memref_squeeze %dma_wait3A_96 : memref<1x128xi32, #tpu.memory_space<vmem>> -> memref<128xi32, #tpu.memory_space<vmem>>
      %dma_wait3A_98 = arith.constant 0 : i32
      %dma_wait3A_99 = arith.constant 0 : i32
      %dma_wait3A_100 = tpu.memref_slice %arg2[%dma_wait3A_98, %dma_wait3A_99] : memref<10000x128xf32, #tpu.memory_space<hbm>> -> memref<10000x128xf32, #tpu.memory_space<hbm>>
      tpu.wait_indirect_dma semaphore(%arg12 : memref<!tpu.dma_semaphore, #tpu.memory_space<semaphore_mem>>) src(%dma_wait3A_100 : memref<10000x128xf32, #tpu.memory_space<hbm>>) dst(%arg9 : memref<128x128xf32, #tpu.memory_space<vmem>>)
      %run_scoped3A_101 = arith.constant 4 : i32
      "tpu.region"() ({
        %run_scoped3A_140 = tpu.sem_alloc : memref<!tpu.dma_semaphore, #tpu.memory_space<semaphore_mem>>
        %dma_start3A_141 = arith.constant 0 : i32
        %dma_start3A_142 = tpu.memref_slice %arg8[%run_scoped3A_101, %dma_start3A_141] : memref<8x128xi32, #tpu.memory_space<vmem>> -> memref<1x128xi32, #tpu.memory_space<vmem>>
        %dma_start3A_143 = tpu.memref_squeeze %dma_start3A_142 : memref<1x128xi32, #tpu.memory_space<vmem>> -> memref<128xi32, #tpu.memory_space<vmem>>
        %dma_start3A_144 = arith.constant 0 : i32
        %dma_start3A_145 = arith.constant 0 : i32
        %dma_start3A_146 = tpu.memref_slice %arg11[%dma_start3A_144, %dma_start3A_145] : memref<10240x128xf32, #tpu.memory_space<vmem_shared>> -> memref<10240x128xf32, #tpu.memory_space<vmem_shared>>
        tpu.enqueue_indirect_dma source(%arg9 : memref<128x128xf32, #tpu.memory_space<vmem>>) target(%dma_start3A_146 : memref<10240x128xf32, #tpu.memory_space<vmem_shared>>) offsets(%dma_start3A_143 : memref<128xi32, #tpu.memory_space<vmem>>) semaphore(%run_scoped3A_140 : memref<!tpu.dma_semaphore, #tpu.memory_space<semaphore_mem>>) {add = true}
        %dma_wait3A_147 = arith.constant 0 : i32
        %dma_wait3A_148 = tpu.memref_slice %arg8[%run_scoped3A_101, %dma_wait3A_147] : memref<8x128xi32, #tpu.memory_space<vmem>> -> memref<1x128xi32, #tpu.memory_space<vmem>>
        %dma_wait3A_149 = tpu.memref_squeeze %dma_wait3A_148 : memref<1x128xi32, #tpu.memory_space<vmem>> -> memref<128xi32, #tpu.memory_space<vmem>>
        %dma_wait3A_150 = arith.constant 0 : i32
        %dma_wait3A_151 = arith.constant 0 : i32
        %dma_wait3A_152 = tpu.memref_slice %arg11[%dma_wait3A_150, %dma_wait3A_151] : memref<10240x128xf32, #tpu.memory_space<vmem_shared>> -> memref<10240x128xf32, #tpu.memory_space<vmem_shared>>
        tpu.wait_indirect_dma semaphore(%run_scoped3A_140 : memref<!tpu.dma_semaphore, #tpu.memory_space<semaphore_mem>>) src(%arg9 : memref<128x128xf32, #tpu.memory_space<vmem>>) dst(%dma_wait3A_152 : memref<10240x128xf32, #tpu.memory_space<vmem_shared>>)
        tpu.yield
      }) : () -> ()
      %dma_start3A_102 = arith.constant 6 : i32
      %dma_start3A_103 = arith.constant 0 : i32
      %dma_start3A_104 = tpu.memref_slice %arg7[%dma_start3A_102, %dma_start3A_103] : memref<8x128xi32, #tpu.memory_space<vmem>> -> memref<1x128xi32, #tpu.memory_space<vmem>>
      %dma_start3A_105 = tpu.memref_squeeze %dma_start3A_104 : memref<1x128xi32, #tpu.memory_space<vmem>> -> memref<128xi32, #tpu.memory_space<vmem>>
      %dma_start3A_106 = arith.constant 0 : i32
      %dma_start3A_107 = arith.constant 0 : i32
      %dma_start3A_108 = tpu.memref_slice %arg2[%dma_start3A_106, %dma_start3A_107] : memref<10000x128xf32, #tpu.memory_space<hbm>> -> memref<10000x128xf32, #tpu.memory_space<hbm>>
      tpu.enqueue_indirect_dma source(%dma_start3A_108 : memref<10000x128xf32, #tpu.memory_space<hbm>>) target(%arg9 : memref<128x128xf32, #tpu.memory_space<vmem>>) offsets(%dma_start3A_105 : memref<128xi32, #tpu.memory_space<vmem>>) semaphore(%arg12 : memref<!tpu.dma_semaphore, #tpu.memory_space<semaphore_mem>>)
      %dma_wait3A_109 = arith.constant 5 : i32
      %dma_wait3A_110 = arith.constant 0 : i32
      %dma_wait3A_111 = tpu.memref_slice %arg7[%dma_wait3A_109, %dma_wait3A_110] : memref<8x128xi32, #tpu.memory_space<vmem>> -> memref<1x128xi32, #tpu.memory_space<vmem>>
      %dma_wait3A_112 = tpu.memref_squeeze %dma_wait3A_111 : memref<1x128xi32, #tpu.memory_space<vmem>> -> memref<128xi32, #tpu.memory_space<vmem>>
      %dma_wait3A_113 = arith.constant 0 : i32
      %dma_wait3A_114 = arith.constant 0 : i32
      %dma_wait3A_115 = tpu.memref_slice %arg2[%dma_wait3A_113, %dma_wait3A_114] : memref<10000x128xf32, #tpu.memory_space<hbm>> -> memref<10000x128xf32, #tpu.memory_space<hbm>>
      tpu.wait_indirect_dma semaphore(%arg13 : memref<!tpu.dma_semaphore, #tpu.memory_space<semaphore_mem>>) src(%dma_wait3A_115 : memref<10000x128xf32, #tpu.memory_space<hbm>>) dst(%arg10 : memref<128x128xf32, #tpu.memory_space<vmem>>)
      %run_scoped3A_116 = arith.constant 5 : i32
      "tpu.region"() ({
        %run_scoped3A_140 = tpu.sem_alloc : memref<!tpu.dma_semaphore, #tpu.memory_space<semaphore_mem>>
        %dma_start3A_141 = arith.constant 0 : i32
        %dma_start3A_142 = tpu.memref_slice %arg8[%run_scoped3A_116, %dma_start3A_141] : memref<8x128xi32, #tpu.memory_space<vmem>> -> memref<1x128xi32, #tpu.memory_space<vmem>>
        %dma_start3A_143 = tpu.memref_squeeze %dma_start3A_142 : memref<1x128xi32, #tpu.memory_space<vmem>> -> memref<128xi32, #tpu.memory_space<vmem>>
        %dma_start3A_144 = arith.constant 0 : i32
        %dma_start3A_145 = arith.constant 0 : i32
        %dma_start3A_146 = tpu.memref_slice %arg11[%dma_start3A_144, %dma_start3A_145] : memref<10240x128xf32, #tpu.memory_space<vmem_shared>> -> memref<10240x128xf32, #tpu.memory_space<vmem_shared>>
        tpu.enqueue_indirect_dma source(%arg10 : memref<128x128xf32, #tpu.memory_space<vmem>>) target(%dma_start3A_146 : memref<10240x128xf32, #tpu.memory_space<vmem_shared>>) offsets(%dma_start3A_143 : memref<128xi32, #tpu.memory_space<vmem>>) semaphore(%run_scoped3A_140 : memref<!tpu.dma_semaphore, #tpu.memory_space<semaphore_mem>>) {add = true}
        %dma_wait3A_147 = arith.constant 0 : i32
        %dma_wait3A_148 = tpu.memref_slice %arg8[%run_scoped3A_116, %dma_wait3A_147] : memref<8x128xi32, #tpu.memory_space<vmem>> -> memref<1x128xi32, #tpu.memory_space<vmem>>
        %dma_wait3A_149 = tpu.memref_squeeze %dma_wait3A_148 : memref<1x128xi32, #tpu.memory_space<vmem>> -> memref<128xi32, #tpu.memory_space<vmem>>
        %dma_wait3A_150 = arith.constant 0 : i32
        %dma_wait3A_151 = arith.constant 0 : i32
        %dma_wait3A_152 = tpu.memref_slice %arg11[%dma_wait3A_150, %dma_wait3A_151] : memref<10240x128xf32, #tpu.memory_space<vmem_shared>> -> memref<10240x128xf32, #tpu.memory_space<vmem_shared>>
        tpu.wait_indirect_dma semaphore(%run_scoped3A_140 : memref<!tpu.dma_semaphore, #tpu.memory_space<semaphore_mem>>) src(%arg10 : memref<128x128xf32, #tpu.memory_space<vmem>>) dst(%dma_wait3A_152 : memref<10240x128xf32, #tpu.memory_space<vmem_shared>>)
        tpu.yield
      }) : () -> ()
      %dma_start3A_117 = arith.constant 7 : i32
      %dma_start3A_118 = arith.constant 0 : i32
      %dma_start3A_119 = tpu.memref_slice %arg7[%dma_start3A_117, %dma_start3A_118] : memref<8x128xi32, #tpu.memory_space<vmem>> -> memref<1x128xi32, #tpu.memory_space<vmem>>
      %dma_start3A_120 = tpu.memref_squeeze %dma_start3A_119 : memref<1x128xi32, #tpu.memory_space<vmem>> -> memref<128xi32, #tpu.memory_space<vmem>>
      %dma_start3A_121 = arith.constant 0 : i32
      %dma_start3A_122 = arith.constant 0 : i32
      %dma_start3A_123 = tpu.memref_slice %arg2[%dma_start3A_121, %dma_start3A_122] : memref<10000x128xf32, #tpu.memory_space<hbm>> -> memref<10000x128xf32, #tpu.memory_space<hbm>>
      tpu.enqueue_indirect_dma source(%dma_start3A_123 : memref<10000x128xf32, #tpu.memory_space<hbm>>) target(%arg10 : memref<128x128xf32, #tpu.memory_space<vmem>>) offsets(%dma_start3A_120 : memref<128xi32, #tpu.memory_space<vmem>>) semaphore(%arg13 : memref<!tpu.dma_semaphore, #tpu.memory_space<semaphore_mem>>)
      %dma_wait3A_124 = arith.constant 6 : i32
      %dma_wait3A_125 = arith.constant 0 : i32
      %dma_wait3A_126 = tpu.memref_slice %arg7[%dma_wait3A_124, %dma_wait3A_125] : memref<8x128xi32, #tpu.memory_space<vmem>> -> memref<1x128xi32, #tpu.memory_space<vmem>>
      %dma_wait3A_127 = tpu.memref_squeeze %dma_wait3A_126 : memref<1x128xi32, #tpu.memory_space<vmem>> -> memref<128xi32, #tpu.memory_space<vmem>>
      %dma_wait3A_128 = arith.constant 0 : i32
      %dma_wait3A_129 = arith.constant 0 : i32
      %dma_wait3A_130 = tpu.memref_slice %arg2[%dma_wait3A_128, %dma_wait3A_129] : memref<10000x128xf32, #tpu.memory_space<hbm>> -> memref<10000x128xf32, #tpu.memory_space<hbm>>
      tpu.wait_indirect_dma semaphore(%arg12 : memref<!tpu.dma_semaphore, #tpu.memory_space<semaphore_mem>>) src(%dma_wait3A_130 : memref<10000x128xf32, #tpu.memory_space<hbm>>) dst(%arg9 : memref<128x128xf32, #tpu.memory_space<vmem>>)
      %run_scoped3A_131 = arith.constant 6 : i32
      "tpu.region"() ({
        %run_scoped3A_140 = tpu.sem_alloc : memref<!tpu.dma_semaphore, #tpu.memory_space<semaphore_mem>>
        %dma_start3A_141 = arith.constant 0 : i32
        %dma_start3A_142 = tpu.memref_slice %arg8[%run_scoped3A_131, %dma_start3A_141] : memref<8x128xi32, #tpu.memory_space<vmem>> -> memref<1x128xi32, #tpu.memory_space<vmem>>
        %dma_start3A_143 = tpu.memref_squeeze %dma_start3A_142 : memref<1x128xi32, #tpu.memory_space<vmem>> -> memref<128xi32, #tpu.memory_space<vmem>>
        %dma_start3A_144 = arith.constant 0 : i32
        %dma_start3A_145 = arith.constant 0 : i32
        %dma_start3A_146 = tpu.memref_slice %arg11[%dma_start3A_144, %dma_start3A_145] : memref<10240x128xf32, #tpu.memory_space<vmem_shared>> -> memref<10240x128xf32, #tpu.memory_space<vmem_shared>>
        tpu.enqueue_indirect_dma source(%arg9 : memref<128x128xf32, #tpu.memory_space<vmem>>) target(%dma_start3A_146 : memref<10240x128xf32, #tpu.memory_space<vmem_shared>>) offsets(%dma_start3A_143 : memref<128xi32, #tpu.memory_space<vmem>>) semaphore(%run_scoped3A_140 : memref<!tpu.dma_semaphore, #tpu.memory_space<semaphore_mem>>) {add = true}
        %dma_wait3A_147 = arith.constant 0 : i32
        %dma_wait3A_148 = tpu.memref_slice %arg8[%run_scoped3A_131, %dma_wait3A_147] : memref<8x128xi32, #tpu.memory_space<vmem>> -> memref<1x128xi32, #tpu.memory_space<vmem>>
        %dma_wait3A_149 = tpu.memref_squeeze %dma_wait3A_148 : memref<1x128xi32, #tpu.memory_space<vmem>> -> memref<128xi32, #tpu.memory_space<vmem>>
        %dma_wait3A_150 = arith.constant 0 : i32
        %dma_wait3A_151 = arith.constant 0 : i32
        %dma_wait3A_152 = tpu.memref_slice %arg11[%dma_wait3A_150, %dma_wait3A_151] : memref<10240x128xf32, #tpu.memory_space<vmem_shared>> -> memref<10240x128xf32, #tpu.memory_space<vmem_shared>>
        tpu.wait_indirect_dma semaphore(%run_scoped3A_140 : memref<!tpu.dma_semaphore, #tpu.memory_space<semaphore_mem>>) src(%arg9 : memref<128x128xf32, #tpu.memory_space<vmem>>) dst(%dma_wait3A_152 : memref<10240x128xf32, #tpu.memory_space<vmem_shared>>)
        tpu.yield
      }) : () -> ()
      %dma_wait3A_132 = arith.constant 7 : i32
      %dma_wait3A_133 = arith.constant 0 : i32
      %dma_wait3A_134 = tpu.memref_slice %arg7[%dma_wait3A_132, %dma_wait3A_133] : memref<8x128xi32, #tpu.memory_space<vmem>> -> memref<1x128xi32, #tpu.memory_space<vmem>>
      %dma_wait3A_135 = tpu.memref_squeeze %dma_wait3A_134 : memref<1x128xi32, #tpu.memory_space<vmem>> -> memref<128xi32, #tpu.memory_space<vmem>>
      %dma_wait3A_136 = arith.constant 0 : i32
      %dma_wait3A_137 = arith.constant 0 : i32
      %dma_wait3A_138 = tpu.memref_slice %arg2[%dma_wait3A_136, %dma_wait3A_137] : memref<10000x128xf32, #tpu.memory_space<hbm>> -> memref<10000x128xf32, #tpu.memory_space<hbm>>
      tpu.wait_indirect_dma semaphore(%arg13 : memref<!tpu.dma_semaphore, #tpu.memory_space<semaphore_mem>>) src(%dma_wait3A_138 : memref<10000x128xf32, #tpu.memory_space<hbm>>) dst(%arg10 : memref<128x128xf32, #tpu.memory_space<vmem>>)
      %run_scoped3A_139 = arith.constant 7 : i32
      "tpu.region"() ({
        %run_scoped3A_140 = tpu.sem_alloc : memref<!tpu.dma_semaphore, #tpu.memory_space<semaphore_mem>>
        %dma_start3A_141 = arith.constant 0 : i32
        %dma_start3A_142 = tpu.memref_slice %arg8[%run_scoped3A_139, %dma_start3A_141] : memref<8x128xi32, #tpu.memory_space<vmem>> -> memref<1x128xi32, #tpu.memory_space<vmem>>
        %dma_start3A_143 = tpu.memref_squeeze %dma_start3A_142 : memref<1x128xi32, #tpu.memory_space<vmem>> -> memref<128xi32, #tpu.memory_space<vmem>>
        %dma_start3A_144 = arith.constant 0 : i32
        %dma_start3A_145 = arith.constant 0 : i32
        %dma_start3A_146 = tpu.memref_slice %arg11[%dma_start3A_144, %dma_start3A_145] : memref<10240x128xf32, #tpu.memory_space<vmem_shared>> -> memref<10240x128xf32, #tpu.memory_space<vmem_shared>>
        tpu.enqueue_indirect_dma source(%arg10 : memref<128x128xf32, #tpu.memory_space<vmem>>) target(%dma_start3A_146 : memref<10240x128xf32, #tpu.memory_space<vmem_shared>>) offsets(%dma_start3A_143 : memref<128xi32, #tpu.memory_space<vmem>>) semaphore(%run_scoped3A_140 : memref<!tpu.dma_semaphore, #tpu.memory_space<semaphore_mem>>) {add = true}
        %dma_wait3A_147 = arith.constant 0 : i32
        %dma_wait3A_148 = tpu.memref_slice %arg8[%run_scoped3A_139, %dma_wait3A_147] : memref<8x128xi32, #tpu.memory_space<vmem>> -> memref<1x128xi32, #tpu.memory_space<vmem>>
        %dma_wait3A_149 = tpu.memref_squeeze %dma_wait3A_148 : memref<1x128xi32, #tpu.memory_space<vmem>> -> memref<128xi32, #tpu.memory_space<vmem>>
        %dma_wait3A_150 = arith.constant 0 : i32
        %dma_wait3A_151 = arith.constant 0 : i32
        %dma_wait3A_152 = tpu.memref_slice %arg11[%dma_wait3A_150, %dma_wait3A_151] : memref<10240x128xf32, #tpu.memory_space<vmem_shared>> -> memref<10240x128xf32, #tpu.memory_space<vmem_shared>>
        tpu.wait_indirect_dma semaphore(%run_scoped3A_140 : memref<!tpu.dma_semaphore, #tpu.memory_space<semaphore_mem>>) src(%arg10 : memref<128x128xf32, #tpu.memory_space<vmem>>) dst(%dma_wait3A_152 : memref<10240x128xf32, #tpu.memory_space<vmem_shared>>)
        tpu.yield
      }) : () -> ()
    }
    %scan3A_13 = arith.constant 10 : i32
    "tpu.trace_stop"() : () -> ()
    %barrier3A_14 = arith.constant 0 : index
    tpu.barrier barrier_id(%barrier3A_14)
    "tpu.trace_start"() <{level = 10 : i32, message = "writeout"}> : () -> ()
    "tpu.region"() ({
      %run_scoped3A = tpu.sem_alloc : memref<!tpu.dma_semaphore, #tpu.memory_space<semaphore_mem>>
      %dma_start3A = arith.constant 0 : i32
      %dma_start3A_15 = arith.constant 0 : i32
      %dma_start3A_16 = tpu.memref_slice %arg6[%arg0, %dma_start3A, %dma_start3A_15] : memref<2x10240x128xf32, #tpu.memory_space<hbm>> -> memref<1x10240x128xf32, #tpu.memory_space<hbm>>
      %dma_start3A_17 = tpu.memref_squeeze %dma_start3A_16 : memref<1x10240x128xf32, #tpu.memory_space<hbm>> -> memref<10240x128xf32, #tpu.memory_space<hbm>>
      %dma_start3A_18 = arith.constant 0 : i32
      %dma_start3A_19 = tpu.memref_slice %dma_start3A_17[%mul3A_2, %dma_start3A_18] : memref<10240x128xf32, #tpu.memory_space<hbm>> -> memref<640x128xf32, #tpu.memory_space<hbm>>
      %dma_start3A_20 = arith.constant 0 : i32
      %dma_start3A_21 = tpu.memref_slice %arg11[%mul3A_2, %dma_start3A_20] : memref<10240x128xf32, #tpu.memory_space<vmem_shared>> -> memref<640x128xf32, #tpu.memory_space<vmem_shared>>
      tpu.enqueue_dma source(%dma_start3A_21 : memref<640x128xf32, #tpu.memory_space<vmem_shared>>) target(%dma_start3A_19 : memref<640x128xf32, #tpu.memory_space<hbm>>) target_semaphore(%run_scoped3A : memref<!tpu.dma_semaphore, #tpu.memory_space<semaphore_mem>>)
      %dma_wait3A = arith.constant 0 : i32
      %dma_wait3A_22 = arith.constant 0 : i32
      %dma_wait3A_23 = tpu.memref_slice %arg6[%arg0, %dma_wait3A, %dma_wait3A_22] : memref<2x10240x128xf32, #tpu.memory_space<hbm>> -> memref<1x10240x128xf32, #tpu.memory_space<hbm>>
      %dma_wait3A_24 = tpu.memref_squeeze %dma_wait3A_23 : memref<1x10240x128xf32, #tpu.memory_space<hbm>> -> memref<10240x128xf32, #tpu.memory_space<hbm>>
      %dma_wait3A_25 = arith.constant 0 : i32
      %dma_wait3A_26 = tpu.memref_slice %dma_wait3A_24[%mul3A_2, %dma_wait3A_25] : memref<10240x128xf32, #tpu.memory_space<hbm>> -> memref<640x128xf32, #tpu.memory_space<hbm>>
      %dma_wait3A_27 = arith.constant 0 : i32
      %dma_wait3A_28 = tpu.memref_slice %arg11[%mul3A_2, %dma_wait3A_27] : memref<10240x128xf32, #tpu.memory_space<vmem_shared>> -> memref<640x128xf32, #tpu.memory_space<vmem_shared>>
      tpu.wait_dma2 semaphore(%run_scoped3A : memref<!tpu.dma_semaphore, #tpu.memory_space<semaphore_mem>>) src(%dma_wait3A_28 : memref<640x128xf32, #tpu.memory_space<vmem_shared>>) dst(%dma_wait3A_26 : memref<640x128xf32, #tpu.memory_space<hbm>>)
      tpu.yield
    }) : () -> ()
    "tpu.trace_stop"() : () -> ()
    return
  }
}

module attributes {stable_mosaic.version = 14 : i64} {
  func.func @body(%arg0: memref<10000x128xf32, #tpu.memory_space<vmem>>, %arg1: memref<2x10240x128xf32, #tpu.memory_space<vmem>>, %arg2: memref<32x10016xf32, #tpu.memory_space<vmem>>, %arg3: memref<128x128xf32, #tpu.memory_space<vmem>>, %arg4: memref<1x128xf32, #tpu.memory_space<vmem>>, %arg5: memref<128x128xf32, #tpu.memory_space<vmem>>, %arg6: memref<64x128xf32, #tpu.memory_space<vmem>>, %arg7: memref<64x128xf32, #tpu.memory_space<vmem>>, %arg8: memref<1x64xf32, #tpu.memory_space<vmem>>, %arg9: memref<10000x128xf32, #tpu.memory_space<vmem>>, %arg10: memref<10000x64xf32, #tpu.memory_space<vmem>>) attributes {dimension_semantics = [], scalar_prefetch = 0 : i64, scratch_operands = 0 : i64, tpu.core_type = #tpu.core_type<tc>} {
    %get3A = arith.constant 0 : index
    %get3A_0 = arith.constant 0 : index
    %get3A_1 = arith.constant 0 : index
    %get3A_2 = vector.load %arg1[%get3A, %get3A_0, %get3A_1] : memref<2x10240x128xf32, #tpu.memory_space<vmem>>, vector<1x10000x128xf32>
    %get3A_3 = vector.shape_cast %get3A_2 : vector<1x10000x128xf32> to vector<10000x128xf32>
    %get3A_4 = arith.constant 1 : index
    %get3A_5 = arith.constant 0 : index
    %get3A_6 = arith.constant 0 : index
    %get3A_7 = vector.load %arg1[%get3A_4, %get3A_5, %get3A_6] : memref<2x10240x128xf32, #tpu.memory_space<vmem>>, vector<1x10000x128xf32>
    %get3A_8 = vector.shape_cast %get3A_7 : vector<1x10000x128xf32> to vector<10000x128xf32>
    %add3A = arith.addf %get3A_3, %get3A_8 : vector<10000x128xf32>
    %get3A_9 = arith.constant 0 : index
    %get3A_10 = arith.constant 0 : index
    %get3A_11 = vector.load %arg2[%get3A_9, %get3A_10] : memref<32x10016xf32, #tpu.memory_space<vmem>>, vector<32x10016xf32>
    %broadcast_in_dim3A = arith.constant 1.000000e+00 : f32
    %broadcast_in_dim3A_12 = vector.broadcast %broadcast_in_dim3A : f32 to vector<32x1xf32>
    %dot_general3A = arith.constant dense<0.000000e+00> : vector<10016x1xf32>
    %dot_general3A_13 = tpu.matmul %get3A_11, %broadcast_in_dim3A_12, %dot_general3A {dimension_numbers = #tpu.dot_dimension_numbers<[0], [0], [1], [1], [0, 1, 1, 1], [], []>, transpose_lhs_hint = false} : vector<32x10016xf32>, vector<32x1xf32>, vector<10016x1xf32> -> vector<10016x1xf32>
    %slice3A = vector.extract_strided_slice %dot_general3A_13 {offsets = [0, 0], sizes = [10000, 1], strides = [1, 1]} : vector<10016x1xf32> to vector<10000x1xf32>
    %max3A = arith.constant 1.000000e+00 : f32
    %max3A_14 = vector.broadcast %max3A : f32 to vector<10000x1xf32>
    %max3A_15 = arith.maximumf %slice3A, %max3A_14 : vector<10000x1xf32>
    %div3A = arith.constant 1.000000e+00 : f32
    %div3A_16 = vector.broadcast %div3A : f32 to vector<10000x1xf32>
    %div3A_17 = arith.divf %div3A_16, %max3A_15 : vector<10000x1xf32>
    %mul3A = vector.broadcast %div3A_17 : vector<10000x1xf32> to vector<10000x128xf32>
    %mul3A_18 = arith.mulf %add3A, %mul3A : vector<10000x128xf32>
    %get3A_19 = arith.constant 0 : index
    %get3A_20 = arith.constant 0 : index
    %get3A_21 = vector.load %arg3[%get3A_19, %get3A_20] : memref<128x128xf32, #tpu.memory_space<vmem>>, vector<128x128xf32>
    %dot_general3A_22 = arith.constant dense<0.000000e+00> : vector<10000x128xf32>
    %dot_general3A_23 = tpu.matmul %mul3A_18, %get3A_21, %dot_general3A_22 {dimension_numbers = #tpu.dot_dimension_numbers<[1], [1], [0], [0], [0, 0, 1, 0], [], []>, transpose_lhs_hint = false} : vector<10000x128xf32>, vector<128x128xf32>, vector<10000x128xf32> -> vector<10000x128xf32>
    %get3A_24 = arith.constant 0 : index
    %get3A_25 = arith.constant 0 : index
    %get3A_26 = vector.load %arg4[%get3A_24, %get3A_25] : memref<1x128xf32, #tpu.memory_space<vmem>>, vector<1x128xf32>
    %add3A_27 = vector.broadcast %get3A_26 : vector<1x128xf32> to vector<10000x128xf32>
    %add3A_28 = arith.addf %dot_general3A_23, %add3A_27 : vector<10000x128xf32>
    %get3A_29 = arith.constant 0 : index
    %get3A_30 = arith.constant 0 : index
    %get3A_31 = vector.load %arg0[%get3A_29, %get3A_30] : memref<10000x128xf32, #tpu.memory_space<vmem>>, vector<10000x128xf32>
    %get3A_32 = arith.constant 0 : index
    %get3A_33 = arith.constant 0 : index
    %get3A_34 = vector.load %arg5[%get3A_32, %get3A_33] : memref<128x128xf32, #tpu.memory_space<vmem>>, vector<128x128xf32>
    %dot_general3A_35 = arith.constant dense<0.000000e+00> : vector<10000x128xf32>
    %dot_general3A_36 = tpu.matmul %get3A_31, %get3A_34, %dot_general3A_35 {dimension_numbers = #tpu.dot_dimension_numbers<[1], [1], [0], [0], [0, 0, 1, 0], [], []>, transpose_lhs_hint = false} : vector<10000x128xf32>, vector<128x128xf32>, vector<10000x128xf32> -> vector<10000x128xf32>
    %add3A_37 = arith.addf %add3A_28, %dot_general3A_36 : vector<10000x128xf32>
    %max3A_38 = arith.constant 0.000000e+00 : f32
    %max3A_39 = vector.broadcast %max3A_38 : f32 to vector<10000x128xf32>
    %max3A_40 = arith.maximumf %add3A_37, %max3A_39 : vector<10000x128xf32>
    %swap3A = arith.constant 0 : index
    %swap3A_41 = arith.constant 0 : index
    %swap3A_42 = vector.load %arg9[%swap3A, %swap3A_41] : memref<10000x128xf32, #tpu.memory_space<vmem>>, vector<10000x128xf32>
    tpu.vector_store %arg9[%swap3A, %swap3A_41], %max3A_40 {strides = array<i32>} : memref<10000x128xf32, #tpu.memory_space<vmem>>, vector<10000x128xf32>,
    %get3A_43 = arith.constant 0 : index
    %get3A_44 = arith.constant 0 : index
    %get3A_45 = vector.load %arg7[%get3A_43, %get3A_44] : memref<64x128xf32, #tpu.memory_space<vmem>>, vector<64x128xf32>
    %dot_general3A_46 = arith.constant dense<0.000000e+00> : vector<10000x64xf32>
    %dot_general3A_47 = tpu.matmul %max3A_40, %get3A_45, %dot_general3A_46 {dimension_numbers = #tpu.dot_dimension_numbers<[1], [1], [0], [0], [0, 0, 1, 0], [], []>, transpose_lhs_hint = false} : vector<10000x128xf32>, vector<64x128xf32>, vector<10000x64xf32> -> vector<10000x64xf32>
    %get3A_48 = arith.constant 0 : index
    %get3A_49 = arith.constant 0 : index
    %get3A_50 = vector.load %arg8[%get3A_48, %get3A_49] : memref<1x64xf32, #tpu.memory_space<vmem>>, vector<1x64xf32>
    %add3A_51 = vector.broadcast %get3A_50 : vector<1x64xf32> to vector<10000x64xf32>
    %add3A_52 = arith.addf %dot_general3A_47, %add3A_51 : vector<10000x64xf32>
    %swap3A_53 = arith.constant 0 : index
    %swap3A_54 = arith.constant 0 : index
    %swap3A_55 = vector.load %arg10[%swap3A_53, %swap3A_54] : memref<10000x64xf32, #tpu.memory_space<vmem>>, vector<10000x64xf32>
    tpu.vector_store %arg10[%swap3A_53, %swap3A_54], %add3A_52 {strides = array<i32>} : memref<10000x64xf32, #tpu.memory_space<vmem>>, vector<10000x64xf32>,
    return
  }
}

module attributes {stable_mosaic.version = 14 : i64} {
  func.func @body(%arg0: memref<2x10240x128xf32, #tpu.memory_space<vmem>>, %arg1: memref<32x10016xf32, #tpu.memory_space<vmem>>, %arg2: memref<64x128xf32, #tpu.memory_space<vmem>>, %arg3: memref<10000x64xf32, #tpu.memory_space<vmem>>, %arg4: memref<1x64xf32, #tpu.memory_space<vmem>>, %arg5: memref<1x64xf32, #tpu.memory_space<vmem>>, %arg6: memref<10000x64xf32, #tpu.memory_space<vmem>>) attributes {dimension_semantics = [], scalar_prefetch = 0 : i64, scratch_operands = 0 : i64, tpu.core_type = #tpu.core_type<tc>} {
    %get3A = arith.constant 0 : index
    %get3A_0 = arith.constant 0 : index
    %get3A_1 = arith.constant 0 : index
    %get3A_2 = vector.load %arg0[%get3A, %get3A_0, %get3A_1] : memref<2x10240x128xf32, #tpu.memory_space<vmem>>, vector<1x10000x128xf32>
    %get3A_3 = vector.shape_cast %get3A_2 : vector<1x10000x128xf32> to vector<10000x128xf32>
    %get3A_4 = arith.constant 1 : index
    %get3A_5 = arith.constant 0 : index
    %get3A_6 = arith.constant 0 : index
    %get3A_7 = vector.load %arg0[%get3A_4, %get3A_5, %get3A_6] : memref<2x10240x128xf32, #tpu.memory_space<vmem>>, vector<1x10000x128xf32>
    %get3A_8 = vector.shape_cast %get3A_7 : vector<1x10000x128xf32> to vector<10000x128xf32>
    %add3A = arith.addf %get3A_3, %get3A_8 : vector<10000x128xf32>
    %get3A_9 = arith.constant 0 : index
    %get3A_10 = arith.constant 0 : index
    %get3A_11 = vector.load %arg1[%get3A_9, %get3A_10] : memref<32x10016xf32, #tpu.memory_space<vmem>>, vector<32x10016xf32>
    %broadcast_in_dim3A = arith.constant 1.000000e+00 : f32
    %broadcast_in_dim3A_12 = vector.broadcast %broadcast_in_dim3A : f32 to vector<32x1xf32>
    %dot_general3A = arith.constant dense<0.000000e+00> : vector<10016x1xf32>
    %dot_general3A_13 = tpu.matmul %get3A_11, %broadcast_in_dim3A_12, %dot_general3A {dimension_numbers = #tpu.dot_dimension_numbers<[0], [0], [1], [1], [0, 1, 1, 1], [], []>, transpose_lhs_hint = false} : vector<32x10016xf32>, vector<32x1xf32>, vector<10016x1xf32> -> vector<10016x1xf32>
    %slice3A = vector.extract_strided_slice %dot_general3A_13 {offsets = [0, 0], sizes = [10000, 1], strides = [1, 1]} : vector<10016x1xf32> to vector<10000x1xf32>
    %max3A = arith.constant 1.000000e+00 : f32
    %max3A_14 = vector.broadcast %max3A : f32 to vector<10000x1xf32>
    %max3A_15 = arith.maximumf %slice3A, %max3A_14 : vector<10000x1xf32>
    %div3A = arith.constant 1.000000e+00 : f32
    %div3A_16 = vector.broadcast %div3A : f32 to vector<10000x1xf32>
    %div3A_17 = arith.divf %div3A_16, %max3A_15 : vector<10000x1xf32>
    %mul3A = vector.broadcast %div3A_17 : vector<10000x1xf32> to vector<10000x128xf32>
    %mul3A_18 = arith.mulf %add3A, %mul3A : vector<10000x128xf32>
    %get3A_19 = arith.constant 0 : index
    %get3A_20 = arith.constant 0 : index
    %get3A_21 = vector.load %arg2[%get3A_19, %get3A_20] : memref<64x128xf32, #tpu.memory_space<vmem>>, vector<64x128xf32>
    %dot_general3A_22 = arith.constant dense<0.000000e+00> : vector<10000x64xf32>
    %dot_general3A_23 = tpu.matmul %mul3A_18, %get3A_21, %dot_general3A_22 {dimension_numbers = #tpu.dot_dimension_numbers<[1], [1], [0], [0], [0, 0, 1, 0], [], []>, transpose_lhs_hint = false} : vector<10000x128xf32>, vector<64x128xf32>, vector<10000x64xf32> -> vector<10000x64xf32>
    %get3A_24 = arith.constant 0 : index
    %get3A_25 = arith.constant 0 : index
    %get3A_26 = vector.load %arg3[%get3A_24, %get3A_25] : memref<10000x64xf32, #tpu.memory_space<vmem>>, vector<10000x64xf32>
    %add3A_27 = arith.addf %dot_general3A_23, %get3A_26 : vector<10000x64xf32>
    %reduce_sum3A = arith.constant dense<0.000000e+00> : vector<64xf32>
    %reduce_sum3A_28 = vector.multi_reduction <add>, %add3A_27, %reduce_sum3A [0] : vector<10000x64xf32> to vector<64xf32>
    %broadcast_in_dim3A_29 = vector.shape_cast %reduce_sum3A_28 : vector<64xf32> to vector<1x64xf32>
    %div3A_30 = arith.constant 1.000000e+04 : f32
    %div3A_31 = vector.broadcast %div3A_30 : f32 to vector<1x64xf32>
    %div3A_32 = arith.divf %broadcast_in_dim3A_29, %div3A_31 : vector<1x64xf32>
    %sub3A = vector.broadcast %div3A_32 : vector<1x64xf32> to vector<10000x64xf32>
    %sub3A_33 = arith.subf %add3A_27, %sub3A : vector<10000x64xf32>
    %mul3A_34 = arith.mulf %sub3A_33, %sub3A_33 : vector<10000x64xf32>
    %reduce_sum3A_35 = arith.constant dense<0.000000e+00> : vector<64xf32>
    %reduce_sum3A_36 = vector.multi_reduction <add>, %mul3A_34, %reduce_sum3A_35 [0] : vector<10000x64xf32> to vector<64xf32>
    %broadcast_in_dim3A_37 = vector.shape_cast %reduce_sum3A_36 : vector<64xf32> to vector<1x64xf32>
    %div3A_38 = arith.constant 1.000000e+04 : f32
    %div3A_39 = vector.broadcast %div3A_38 : f32 to vector<1x64xf32>
    %div3A_40 = arith.divf %broadcast_in_dim3A_37, %div3A_39 : vector<1x64xf32>
    %add3A_41 = arith.constant 9.99999974E-6 : f32
    %add3A_42 = vector.broadcast %add3A_41 : f32 to vector<1x64xf32>
    %add3A_43 = arith.addf %div3A_40, %add3A_42 : vector<1x64xf32>
    %rsqrt3A = math.rsqrt %add3A_43 : vector<1x64xf32>
    %mul3A_44 = vector.broadcast %rsqrt3A : vector<1x64xf32> to vector<10000x64xf32>
    %mul3A_45 = arith.mulf %sub3A_33, %mul3A_44 : vector<10000x64xf32>
    %get3A_46 = arith.constant 0 : index
    %get3A_47 = arith.constant 0 : index
    %get3A_48 = vector.load %arg4[%get3A_46, %get3A_47] : memref<1x64xf32, #tpu.memory_space<vmem>>, vector<1x64xf32>
    %mul3A_49 = vector.broadcast %get3A_48 : vector<1x64xf32> to vector<10000x64xf32>
    %mul3A_50 = arith.mulf %mul3A_45, %mul3A_49 : vector<10000x64xf32>
    %get3A_51 = arith.constant 0 : index
    %get3A_52 = arith.constant 0 : index
    %get3A_53 = vector.load %arg5[%get3A_51, %get3A_52] : memref<1x64xf32, #tpu.memory_space<vmem>>, vector<1x64xf32>
    %add3A_54 = vector.broadcast %get3A_53 : vector<1x64xf32> to vector<10000x64xf32>
    %add3A_55 = arith.addf %mul3A_50, %add3A_54 : vector<10000x64xf32>
    %swap3A = arith.constant 0 : index
    %swap3A_56 = arith.constant 0 : index
    %swap3A_57 = vector.load %arg6[%swap3A, %swap3A_56] : memref<10000x64xf32, #tpu.memory_space<vmem>>, vector<10000x64xf32>
    tpu.vector_store %arg6[%swap3A, %swap3A_56], %add3A_55 {strides = array<i32>} : memref<10000x64xf32, #tpu.memory_space<vmem>>, vector<10000x64xf32>,
    return
  }
}

</mosaic_0001>

<sc_bundles>
// kernel: kernel.6.cloned.1.call-start
scs
__scs_entry_jumppad:
0x0: {  	(pc) =	sbr.rel $0x88, $3  }
0x1: {  	(tag) =	ssettag $0x0;
	lr =	simm.s32 $0x1  }
0x2: {  	[smem:$0x3F97] =	sst lr;
	_ =	strace $0xD0000000  }
0x3: {  	_ = 	snop  }
0x4: {  	_ = 	snop  }
0x5: {  	_ = 	snop  }
0x6: {  	_ = 	snop  }
0x7: {  	_ = 	snop  }
__scs_overlays_trampoline_lowered:
0x8: {  	[smem:$0x3FA6] =	sst s0  }
0x9: {  	[smem:$0x3FA7] =	sst s1  }
0xa: {  	[smem:$0x3FA8] =	sst s2  }
0xb: {  	[smem:$0x3FA9] =	sst s3  }
0xc: {  	[smem:$0x3FAA] =	sst s4  }
0xd: {  	[smem:$0x3FAB] =	sst s5  }
0xe: {  	[smem:$0x3FAC] =	sst s6  }
0xf: {  	[smem:$0x3FAD] =	sst s7  }
0x10: {  	[smem:$0x3FAE] =	sst s8  }
0x11: {  	[smem:$0x3FAF] =	sst s9;
	s0 =	simm.s32 @!p0 $0x0  }
0x12: {  	s1 =	sld [smem:$0x3F95];
	s0 =	simm.s32 @p0 $0x1  }
0x13: {  	[smem:$0x3FB0] =	sst s0;
	s0 =	simm.s32 @!p1 $0x0  }
0x14: {  	s2 =	sld [smem:$0x3F94];
	s0 =	simm.s32 @p1 $0x1  }
0x15: {  	[smem:$0x3FB1] =	sst s0;
	s0 =	simm.s32 @!p2 $0x0  }
0x16: {  	s3 =	sld [smem:$0x3FDB];
	s0 =	simm.s32 @p2 $0x1  }
0x17: {  	s4 =	simm.s32 $0x1BF5;
	[smem:$0x3FB3] =	sst s0  }
0x18: {  	s0 =	sld [smem:$0x3F96];
	_ =	swait.ge [sflag:s4], $0x0  }
0x19: {  	s7 =	sld [smem:$0x3F97]  }
0x1a: {  	s8 =	sadd.s32 $0xFFFFE003, lr  }
0x1b: {  	s9 =	sadd.s32 $0xFFFFFEF7, lr;
	s5 =	simm.s32 $0xFFFFFFFF;
	p2 =	slt.u32 s8, $0xFFFFF086  }
0x1c: {  	p1 =	slt.u32 s9, $0xF7A;
	s5 =	simm.s32 @!p2 $0x0  }
0x1d: {  	s5 =	simm.s32 @p1 $0x1;
	p0 =	seq.s32 s7, s2  }
0x1e: {  	s7 =	smul.u32 @!p0 $0xF7A, s2;
	p2 =	seq.s32 @!p0 s5, $0x0  }
0x1f: {  	s9 =	smul.u32 $0xF7A, s1;
	s8 =	simm.s32 @!p0 $0x1BF5;
	p2 =	por !p2, p0  }
0x20: {  	[sflag:s8] =	ssyncset.s32 @!p0 $0xFFFFF086;
	s6 =	sadd.s32 @!p0 s3, s7;
	s7 =	simm.s32 @!p0 $0x108  }
0x21: {  	s3 =	sadd.s32 s3, s9;
	s6 =	sadd.s32 @!p0 $0x88, s6;
	s7 =	simm.s32 @p2 $0x1082  }
0x22: {  	[simem:s7], [sflag:s8] =	dma.local @!p0 [hbm:s6], $0xF7A  }
0x23: {  	s9 =	sor.u32 $0xD0000000, s2;
	s6 =	simm.s32 $0x108;
	_ =	swait.ge @!p0 [sflag:s8], $0x0  }
0x24: {  	s3 =	sadd.s32 $0x88, s3;
	s6 =	simm.s32 @!p1 $0x1082;
	[sflag:s4] =	ssyncset.s32 $0xFFFFF086  }
0x25: {  	[simem:s6], [sflag:s4] =	dma.local [hbm:s3], $0xF7A  }
0x26: {  	[smem:$0x3F97] =	sst s1;
	(tag) =	ssettag s2;
	_ =	strace s9  }
0x27: {  	s1 =	sld [smem:$0x3FA7]  }
0x28: {  	s2 =	sld [smem:$0x3FA8]  }
0x29: {  	s4 =	sld [smem:$0x3FAA]  }
0x2a: {  	p0 =	seq.s32 s5, $0x0;
	s5 =	sld [smem:$0x3FAB]  }
0x2b: {  	s6 =	sld [smem:$0x3FAC]  }
0x2c: {  	s7 =	sld [smem:$0x3FAD]  }
0x2d: {  	s3 =	simm.s32 $0x108;
	s8 =	sld [smem:$0x3FAE]  }
0x2e: {  	s3 =	simm.s32 @!p0 $0x1082;
	s9 =	sld [smem:$0x3FAF]  }
0x2f: {  	lr =	sadd.s32 s0, s3;
	s0 =	sld [smem:$0x3FA6]  }
0x30: {  	s3 =	sld [smem:$0x3FA9]  }
0x31: {  	[smem:$0x3FB2] =	sst s10  }
0x32: {  	s10 =	sld [smem:$0x3FB0];
	_ =	sdelay $0x3  }
0x33: {  	p0 =	seq.s32 s10, $0x1;
	s10 =	sld [smem:$0x3FB2];
	_ =	sdelay $0x3  }
0x34: {  	[smem:$0x3FB2] =	sst s10  }
0x35: {  	s10 =	sld [smem:$0x3FB1];
	_ =	sdelay $0x3  }
0x36: {  	p1 =	seq.s32 s10, $0x1;
	s10 =	sld [smem:$0x3FB2];
	_ =	sdelay $0x3  }
0x37: {  	[smem:$0x3FB2] =	sst s10  }
0x38: {  	s10 =	sld [smem:$0x3FB3]  }
0x39: {  	_ = 	snop;
	(pc) =	sbr.ind lr, $3  }
0x3a: {  	_ = 	snop  }
0x3b: {  	_ = 	snop  }
0x3c: {  	p2 =	seq.s32 s10, $0x1;
	s10 =	sld [smem:$0x3FB2]  }
0x3d: {  	_ =	shalt  }
0x3e: {  	_ =	shalt  }
0x3f: {  	_ =	shalt  }
0x40: {  	_ =	shalt  }
0x41: {  	_ =	shalt  }
0x42: {  	_ =	shalt  }
0x43: {  	_ =	shalt  }
0x44: {  	_ =	shalt  }
0x45: {  	_ =	shalt  }
0x46: {  	_ =	shalt  }
0x47: {  	_ =	shalt  }
0x48: {  	_ =	shalt  }
0x49: {  	_ =	shalt  }
0x4a: {  	_ =	shalt  }
0x4b: {  	_ =	shalt  }
0x4c: {  	_ =	shalt  }
0x4d: {  	_ =	shalt  }
0x4e: {  	_ =	shalt  }
0x4f: {  	_ =	shalt  }
0x50: {  	_ =	shalt  }
0x51: {  	_ =	shalt  }
0x52: {  	_ =	shalt  }
0x53: {  	_ =	shalt  }
0x54: {  	_ =	shalt  }
0x55: {  	_ =	shalt  }
0x56: {  	_ =	shalt  }
0x57: {  	_ =	shalt  }
0x58: {  	_ =	shalt  }
0x59: {  	_ =	shalt  }
0x5a: {  	_ =	shalt  }
0x5b: {  	_ =	shalt  }
0x5c: {  	_ =	shalt  }
0x5d: {  	_ =	shalt  }
0x5e: {  	_ =	shalt  }
0x5f: {  	_ =	shalt  }
0x60: {  	_ =	shalt  }
0x61: {  	_ =	shalt  }
0x62: {  	_ =	shalt  }
0x63: {  	_ =	shalt  }
0x64: {  	_ =	shalt  }
0x65: {  	_ =	shalt  }
0x66: {  	_ =	shalt  }
0x67: {  	_ =	shalt  }
0x68: {  	_ =	shalt  }
0x69: {  	_ =	shalt  }
0x6a: {  	_ =	shalt  }
0x6b: {  	_ =	shalt  }
0x6c: {  	_ =	shalt  }
0x6d: {  	_ =	shalt  }
0x6e: {  	_ =	shalt  }
0x6f: {  	_ =	shalt  }
0x70: {  	_ =	shalt  }
0x71: {  	_ =	shalt  }
0x72: {  	_ =	shalt  }
0x73: {  	_ =	shalt  }
0x74: {  	_ =	shalt  }
0x75: {  	_ =	shalt  }
0x76: {  	_ =	shalt  }
0x77: {  	_ =	shalt  }
0x78: {  	_ =	shalt  }
0x79: {  	_ =	shalt  }
0x7a: {  	_ =	shalt  }
0x7b: {  	_ =	shalt  }
0x7c: {  	_ =	shalt  }
0x7d: {  	_ =	shalt  }
0x7e: {  	_ =	shalt  }
0x7f: {  	_ =	shalt  }
0x80: {  	_ =	shalt  }
0x81: {  	_ =	shalt  }
0x82: {  	_ =	shalt  }
0x83: {  	_ =	shalt  }
0x84: {  	_ =	shalt  }
0x85: {  	_ =	shalt  }
0x86: {  	_ =	shalt  }
0x87: {  	_ =	shalt  }
.Lfunc_end0:
.L_simem_size_0:
called_computation_lowered:
.L_overlay_start_0:
0x88: {  	s2 =	sld [smem:$0x3FD9]  }
0x89: {  	s3 =	sld [smem:$0x3FFE];
	_ =	sdelay $0x1  }
0x8a: {  	s1 =	srdreg.scid  }
0x8b: {  	s0 =	sand.u32 $0x1, s1  }
0x8c: {  	s17 =	sshll.u32 s0, $0xA;
	s2 =	sadd.s32 s3, s2  }
0x8d: {  	s2 =	sadd.s32 s2, s17  }
0x8e: {  	[smem:$0x3FBE] =	sst s2  }
0x8f: {  	_ = 	snop  }
0x90: {  	s2 =	sld [smem:$0x3FC9]  }
0x91: {  	s18 =	sld [smem:$0x3FD0];
	(tm) =	ssettm $0x1  }
0x92: {  	s4 =	sld [smem:$0x3FFB];
	_ =	sdelay $0x3  }
0x93: {  	_ =	strace s4  }
0x94: {  	s4 =	sld [smem:$0x3FFC];
	_ =	sdelay $0x3  }
0x95: {  	_ =	strace s4  }
0x96: {  	s4 =	sld [smem:$0x3FFD];
	_ =	sdelay $0x3  }
0x97: {  	_ =	strace s4  }
0x98: {  	_ =	strace $0x8FFFFFFF  }
0x99: {  	s19 =	sld [smem:$0x3FDB];
	_ =	sdelay $0x1  }
0x9a: {  	s5 =	simm.s32 $_scs_section_size  }
0x9b: {  	s6 =	simm.s32 $_size__tile_overlayer_lowered;
	s7 =	simm.s32 $_tile_overlayer_lowered  }
0x9c: {  	s22 =	simm.s32 $0x1BFF;
	s21 =	sshll.u32 s7, $0x1;
	s4 =	sadd.s32 s5, s19  }
0x9d: {  	s8 =	simm.s32 $0x0;
	s20 =	sshll.u32 s6, $0x1;
	s6 =	sadd.s32 s21, s4  }
0x9e: {  	[timem:s8], [sflag:s22] =	dma.local [hbm:s6], s20  }
0x9f: {  	_ =	swait.ge [sflag:s22], s20  }
0xa0: {  	s5 =	ssub.s32 $0x0, s20;
	[sflag:s22] =	ssyncset.done $0x0  }
0xa1: {  	[sflag:s22] =	ssyncadd.s32 s5;
	_ =	sdelay $0x1  }
0xa2: {  	s23 =	simm.s32 $0x1B8B  }
0xa3: {  	_ =	swait.ge [sflag:s23], $0x1  }
0xa4: {  	[sflag:s23] =	ssyncset.done $0x0  }
0xa5: {  	s25 =	simm.s32 $0x1B8E;
	s24 =	sld [smem:$0x3FFE];
	[sflag:s23] =	ssyncadd.s32 $0xFFFFFFFF  }
0xa6: {  	s26 =	simm.s32 $execute0_lowered;
	[smem:$0x3FD2] =	sst s25  }
0xa7: {  	s6 =	sshll.u32 s26, $0x1;
	_ =	strace $0x80000046;
	[dreg:$0x1] =	wrdreg $0xFFFFFFFF  }
0xa8: {  	s28 =	simm.s32 $_size_execute0_lowered;
	s4 =	sadd.s32 s4, s6;
	[dreg:$0x0] =	wrdreg $0x0  }
0xa9: {  	s6 =	sshll.u32 s28, $0x1;
	[dreg:$0x2] =	wrdreg s4  }
0xaa: {  	[dreg:$0x3] =	wrdreg s6  }
0xab: {  	[dreg:$0x4] =	wrdreg $0xC0  }
0xac: {  	_ =	task [dreg:s8], $0x5FFFF  }
0xad: {  	[dreg:$0x1] =	wrdreg $0xFFFFFFFF  }
0xae: {  	[dreg:$0x0] =	wrdreg $0x60  }
0xaf: {  	[dreg:$0x2] =	wrdreg s2  }
0xb0: {  	[dreg:$0x3] =	wrdreg s18  }
0xb1: {  	[dreg:$0x4] =	wrdreg s24  }
0xb2: {  	[dreg:$0x5] =	wrdreg $0x88000  }
0xb3: {  	[dreg:$0x6] =	wrdreg $0x9  }
0xb4: {  	_ =	task.clear_ibuf [dreg:s8], $0x7FFFF;
	_ =	strace $0x90000046  }
0xb5: {  	s29 =	simm.s32 $0x9;
	_ =	strace $0x8000004B  }
0xb6: {  	_ =	swait.ge [sflag:s29], $0x1  }
0xb7: {  	[sflag:s29] =	ssyncadd.s32 $0xFFFFFFFF  }
0xb8: {  	_ =	strace $0x9000004B  }
0xb9: {  	_ =	sfence  }
0xba: {  	s30 =	sld [smem:$0x0];
	_ =	sdelay $0x2  }
0xbb: {  	s31 =	sshll.u32 s1, $0xD;
	s1 =	sshrl.u32 s1, $0x2  }
0xbc: {  	s3 =	sand.u32 $0x4000, s31;
	s1 =	sadd.s32 s1, s30  }
0xbd: {  	s0 =	sor.u32 s3, s0;
	s1 =	sshll.u32 s1, $0x11  }
0xbe: {  	s0 =	sor.u32 s1, s0  }
0xbf: {  	s0 =	sadd.s32 $0x8F2B, s0  }
0xc0: {  	[sflag:s0] =	ssyncadd.remote.s32 $0x1  }
0xc1: {  	_ =	sfence.sel $0xFFFF  }
0xc2: {  	[dreg:$0x0] =	wrdreg $0xFFFFFFFF;
	(pc) =	sbr.abs _section_cstart, $3  }
0xc3: {  	[dreg:$0x1] =	wrdreg $0xFFFFFFFF  }
0xc4: {  	_ =	task.clear_ibuf [dreg:s8], $0x2FFFF;
	_ =	strace $0x9FFFFFFF  }
0xc5: {  	(tm) =	ssettm $0x7FFFFFFF  }
tec
execute0_lowered:
.L_overlay_start_1:
0x0: {  	(tag) =	ssettag $0x1  }
0x1: {  	s1 =	rddreg [dreg:$0x0]  }
0x2: {  	s0 =	rddreg [dreg:$0x1]  }
0x3: {  	s3 =	rddreg [dreg:$0x2]  }
0x4: {  	s2 =	rddreg [dreg:$0x3];
	s5 =	srdreg.scid  }
0x5: {  	s4 =	simm.s32 $0x0;
	s11 =	stileid.u32;
	s15 =	simm.s32 $0x800  }
0x6: {  	s16 =	simm.s32 $0x3;
	s17 =	simm.s32 $0x400;
	s18 =	simm.s32 $0x80  }
0x7: {  	s19 =	simm.s32 $0x4800;
	s20 =	simm.s32 $0x1C800;
	s28 =	simm.s32 $0x500  }
0x8: {  	s29 =	simm.s32 $0x200;
	s30 =	simm.s32 $0x580;
	s25 =	smul.u32 $0x50000, s11  }
0x9: {  	s31 =	simm.s32 $0x280;
	s5 =	sand.u32 $0x1, s5;
	s12 =	smul.u32 $0x2800, s11  }
0xa: {  	[smem:$0x7FF] =	sst s4;
	s10 =	sadd.s32 $0xC400, s3;
	s7 =	smul.u32 $0x5000, s5  }
0xb: {  	s6 =	sshll.u32 s5, $0x4;
	s8 =	smul.u32 $0x28000, s5;
	_ =	strace $0x80000047  }
0xc: {  	[dreg:$0x5] =	wrdreg s10;
	s5 =	ssub.s32 $0x2, s5;
	s6 =	sor.u32 s11, s6  }
0xd: {  	s26 =	sshrl.u32 s5, $0x1;
	s10 =	sshrl.u32 s25, $0x2;
	s11 =	smul.u32 $0x500, s11  }
0xe: {  	s9 =	sadd.s32 s7, s3;
	s6 =	smul.u32 $0x4E4, s6;
	s8 =	sadd.s32 s8, s3  }
0xf: {  	s5 =	ssub.s32 s5, s26;
	s0 =	sadd.s32 s7, s0;
	s7 =	simm.s32 $0x380  }
0x10: {  	s8 =	sadd.s32 $0x16A00, s8;
	s21 =	smax.u32 s5, $0x1;
	s25 =	sadd.s32 s11, s9  }
0x11: {  	s14 =	sadd.s32 s11, s0;
	s0 =	simm.s32 $0x600;
	s3 =	sadd.s32 s6, s3  }
0x12: {  	s6 =	sadd.s32 s10, s2;
	[dreg:$0x7] =	wrdreg s21;
	s3 =	sadd.s32 $0xCC00, s3  }
0x13: {  	s5 =	simm.s32 $0x680;
	s22 =	sadd.s32 $0x4000, s6;
	[dreg:$0x6] =	wrdreg s3  }
0x14: {  	s9 =	simm.s32 $0x780;
	s23 =	sadd.s32 $0x8000, s6;
	[dreg:$0x8] =	wrdreg s22  }
0x15: {  	s13 =	sadd.s32 $0x2400, s25;
	s24 =	sadd.s32 $0xC000, s6;
	[dreg:$0x9] =	wrdreg s23  }
0x16: {  	s21 =	simm.s32 $0x1;
	s26 =	sadd.s32 $0x10000, s6;
	[dreg:$0xa] =	wrdreg s24  }
0x17: {  	s25 =	simm.s32 $0x480;
	s10 =	simm.s32 $0x0;
	[dreg:$0xb] =	wrdreg s26  }
0x18: {  	s22 =	simm.s32 $0x100;
	s23 =	simm.s32 $0x2;
	s24 =	sadd.s32 s12, s8  }
0x19: {  	v0 =	vimm.f32 $0.0e+00;
	v1 =	vimm.f32 $1.000000000e+00;
	s26 =	simm.s32 $0x180;
	s3 =	simm.s32 $0x300;
	s8 =	simm.s32 $0x700  }
.LBB2_1:
0x1a: {  	_ =	strace $0x80000048  }
0x1b: {  	s11 =	rddreg [dreg:$0x5]  }
0x1c: {  	[tilespmem:s15], [sflag:$0x3] =	stream.linear.gather [hbm4b:s11+s4], $0x4000, $0x200038;
	[tilespmem:$0x1EF80] =	vst v63  }
0x1d: {  	_ =	swait.ge [sflag:s16], $0x4000  }
0x1e: {  	[sflag:s16] =	ssyncset.done $0x0  }
0x1f: {  	[sflag:s16] =	ssyncadd.s32 $0xFFFFC000  }
0x20: {  	[spmem:s6] =	stream.linear.scatter [tilespmem:s15], [sflag:$0x3], $0x4000, $0x200038;
	[tilespmem:$0x1EF80] =	vst v63  }
0x21: {  	_ =	swait.ge [sflag:s16], $0x4000  }
0x22: {  	[sflag:s16] =	ssyncset.done $0x0  }
0x23: {  	s12 =	rddreg [dreg:$0x8];
	[sflag:s16] =	ssyncadd.s32 $0xFFFFC000  }
0x24: {  	[spmem:s12] =	stream.linear.scatter [tilespmem:s15], [sflag:$0x3], $0x4000, $0x200038;
	[tilespmem:$0x1EF80] =	vst v63  }
0x25: {  	_ =	swait.ge [sflag:s16], $0x4000  }
0x26: {  	[sflag:s16] =	ssyncset.done $0x0  }
0x27: {  	s12 =	rddreg [dreg:$0x9];
	[sflag:s16] =	ssyncadd.s32 $0xFFFFC000  }
0x28: {  	[spmem:s12] =	stream.linear.scatter [tilespmem:s15], [sflag:$0x3], $0x4000, $0x200038;
	[tilespmem:$0x1EF80] =	vst v63  }
0x29: {  	_ =	swait.ge [sflag:s16], $0x4000  }
0x2a: {  	[sflag:s16] =	ssyncset.done $0x0  }
0x2b: {  	s12 =	rddreg [dreg:$0xa];
	[sflag:s16] =	ssyncadd.s32 $0xFFFFC000  }
0x2c: {  	[spmem:s12] =	stream.linear.scatter [tilespmem:s15], [sflag:$0x3], $0x4000, $0x200038;
	[tilespmem:$0x1EF80] =	vst v63  }
0x2d: {  	_ =	swait.ge [sflag:s16], $0x4000  }
0x2e: {  	[sflag:s16] =	ssyncset.done $0x0  }
0x2f: {  	s12 =	rddreg [dreg:$0xb];
	[sflag:s16] =	ssyncadd.s32 $0xFFFFC000  }
0x30: {  	[spmem:s12] =	stream.linear.scatter [tilespmem:s15], [sflag:$0x3], $0x4000, $0x200038;
	[tilespmem:$0x1EF80] =	vst v63  }
0x31: {  	_ =	swait.ge [sflag:s16], $0x4000  }
0x32: {  	[sflag:s16] =	ssyncset.done $0x0  }
0x33: {  	[sflag:s16] =	ssyncadd.s32 $0xFFFFC000  }
0x34: {  	s11 =	simm.s32 $0x40;
	s12 =	simm.s32 $0x0;
	_ =	strace $0x90000048  }
.LBB2_2:
0x35: {  	p0 =	sne.s32 s11, $0x9C40;
	[tilespmem:s12+$0x1C800] =	vst v0;
	s12 =	smov.u32 s11;
	s11 =	sadd.s32 $0x40, s11  }
.Ltmp0:
0x36: {  	(pc) =	sbr.rel @p0 .LBB2_2-.Ltmp0, $2  }
0x37: {  	_ =	sdelay $0x2  }
0x38: {  	s12 =	sshra.s32 s12, $0x2  }
0x39: {  	[tilespmem:s12+$0x1C800] =	vst v0  }
0x3a: {  	[bflag:$0x0] =	sbarrier.arrive $0xFFFF  }
0x3b: {  	s11 =	simm.s32 $0x0;
	_ =	strace $0x80000049  }
.LBB2_4:
0x3c: {  	s12 =	sadd.s32 s11, s14  }
0x3d: {  	[tilespmem:s4], [sflag:$0x3] =	stream.linear.gather [hbm4b:s12+s4], $0x400, $0x200038;
	[tilespmem:$0x1EF80] =	vst v63  }
0x3e: {  	_ =	swait.ge [sflag:s16], $0x400  }
0x3f: {  	[sflag:s16] =	ssyncset.done $0x0  }
0x40: {  	s12 =	sadd.s32 s11, s13;
	[sflag:s16] =	ssyncadd.s32 $0xFFFFFC00  }
0x41: {  	[tilespmem:s17], [sflag:$0x3] =	stream.linear.gather [hbm4b:s12+s4], $0x400, $0x200038;
	[tilespmem:$0x1EF80] =	vst v63  }
0x42: {  	_ =	swait.ge [sflag:s16], $0x400  }
0x43: {  	[sflag:s16] =	ssyncset.done $0x0  }
0x44: {  	[sflag:s16] =	ssyncadd.s32 $0xFFFFFC00  }
0x45: {  	[tilespmem:s15], [sflag:$0x1] =	stream.indirect.gather [hbm4b:s1+s18], $0x80, s4, s18, $0x2000b8;
	[tilespmem:$0x1EF80] =	vst v63  }
0x46: {  	_ = 	snop  }
0x47: {  	[tilespmem:s19], [sflag:$0x2] =	stream.indirect.gather [hbm4b:s1+s18], $0x80, s18, s18, $0x2000b8;
	[tilespmem:$0x1EF80] =	vst v63  }
0x48: {  	v2 =	vld [tilespmem:$0x400];
	_ =	sdelay $0x7  }
0x49: {  	[tilespmem:v2+s20+$0x0] =	vst.idx.add.f32.msk $0xffff, v1  }
0x4a: {  	v2 =	vld [tilespmem:$0x410];
	_ =	sdelay $0x7  }
0x4b: {  	[tilespmem:v2+s20+$0x0] =	vst.idx.add.f32.msk $0xffff, v1  }
0x4c: {  	v2 =	vld [tilespmem:$0x420];
	_ =	sdelay $0x7  }
0x4d: {  	[tilespmem:v2+s20+$0x0] =	vst.idx.add.f32.msk $0xffff, v1  }
0x4e: {  	v2 =	vld [tilespmem:$0x430];
	_ =	sdelay $0x7  }
0x4f: {  	[tilespmem:v2+s20+$0x0] =	vst.idx.add.f32.msk $0xffff, v1  }
0x50: {  	v2 =	vld [tilespmem:$0x440];
	_ =	sdelay $0x7  }
0x51: {  	[tilespmem:v2+s20+$0x0] =	vst.idx.add.f32.msk $0xffff, v1  }
0x52: {  	v2 =	vld [tilespmem:$0x450];
	_ =	sdelay $0x7  }
0x53: {  	[tilespmem:v2+s20+$0x0] =	vst.idx.add.f32.msk $0xffff, v1  }
0x54: {  	v2 =	vld [tilespmem:$0x460];
	_ =	sdelay $0x7  }
0x55: {  	[tilespmem:v2+s20+$0x0] =	vst.idx.add.f32.msk $0xffff, v1  }
0x56: {  	v2 =	vld [tilespmem:$0x470];
	_ =	sdelay $0x7  }
0x57: {  	[tilespmem:v2+s20+$0x0] =	vst.idx.add.f32.msk $0xffff, v1  }
0x58: {  	_ =	swait.ge [sflag:s21], $0x4000  }
0x59: {  	[sflag:s21] =	ssyncset.done $0x0  }
0x5a: {  	[sflag:s21] =	ssyncadd.s32 $0xFFFFC000  }
0x5b: {  	[spmem:s2] =	stream.indirect.scatter.add.f32 [tilespmem:s15], [sflag:$0x3], $0x80, s17, s18, $0x2000b8;
	[tilespmem:$0x1EF80] =	vst v63  }
0x5c: {  	_ =	swait.ge [sflag:s16], $0x4000  }
0x5d: {  	[sflag:s16] =	ssyncset.done $0x0  }
0x5e: {  	[sflag:s16] =	ssyncadd.s32 $0xFFFFC000  }
0x5f: {  	[tilespmem:s15], [sflag:$0x1] =	stream.indirect.gather [hbm4b:s1+s18], $0x80, s22, s18, $0x2000b8;
	[tilespmem:$0x1EF80] =	vst v63  }
0x60: {  	v2 =	vld [tilespmem:$0x480];
	_ =	sdelay $0x7  }
0x61: {  	[tilespmem:v2+s20+$0x0] =	vst.idx.add.f32.msk $0xffff, v1  }
0x62: {  	v2 =	vld [tilespmem:$0x490];
	_ =	sdelay $0x7  }
0x63: {  	[tilespmem:v2+s20+$0x0] =	vst.idx.add.f32.msk $0xffff, v1  }
0x64: {  	v2 =	vld [tilespmem:$0x4A0];
	_ =	sdelay $0x7  }
0x65: {  	[tilespmem:v2+s20+$0x0] =	vst.idx.add.f32.msk $0xffff, v1  }
0x66: {  	v2 =	vld [tilespmem:$0x4B0];
	_ =	sdelay $0x7  }
0x67: {  	[tilespmem:v2+s20+$0x0] =	vst.idx.add.f32.msk $0xffff, v1  }
0x68: {  	v2 =	vld [tilespmem:$0x4C0];
	_ =	sdelay $0x7  }
0x69: {  	[tilespmem:v2+s20+$0x0] =	vst.idx.add.f32.msk $0xffff, v1  }
0x6a: {  	v2 =	vld [tilespmem:$0x4D0];
	_ =	sdelay $0x7  }
0x6b: {  	[tilespmem:v2+s20+$0x0] =	vst.idx.add.f32.msk $0xffff, v1  }
0x6c: {  	v2 =	vld [tilespmem:$0x4E0];
	_ =	sdelay $0x7  }
0x6d: {  	[tilespmem:v2+s20+$0x0] =	vst.idx.add.f32.msk $0xffff, v1  }
0x6e: {  	v2 =	vld [tilespmem:$0x4F0];
	_ =	sdelay $0x7  }
0x6f: {  	[tilespmem:v2+s20+$0x0] =	vst.idx.add.f32.msk $0xffff, v1  }
0x70: {  	_ =	swait.ge [sflag:s23], $0x4000  }
0x71: {  	[sflag:s23] =	ssyncset.done $0x0  }
0x72: {  	[sflag:s23] =	ssyncadd.s32 $0xFFFFC000  }
0x73: {  	[spmem:s2] =	stream.indirect.scatter.add.f32 [tilespmem:s19], [sflag:$0x3], $0x80, s25, s18, $0x2000b8;
	[tilespmem:$0x1EF80] =	vst v63  }
0x74: {  	_ =	swait.ge [sflag:s16], $0x4000  }
0x75: {  	[sflag:s16] =	ssyncset.done $0x0  }
0x76: {  	[sflag:s16] =	ssyncadd.s32 $0xFFFFC000  }
0x77: {  	[tilespmem:s19], [sflag:$0x2] =	stream.indirect.gather [hbm4b:s1+s18], $0x80, s26, s18, $0x2000b8;
	[tilespmem:$0x1EF80] =	vst v63  }
0x78: {  	v2 =	vld [tilespmem:$0x500];
	_ =	sdelay $0x7  }
0x79: {  	[tilespmem:v2+s20+$0x0] =	vst.idx.add.f32.msk $0xffff, v1  }
0x7a: {  	v2 =	vld [tilespmem:$0x510];
	_ =	sdelay $0x7  }
0x7b: {  	[tilespmem:v2+s20+$0x0] =	vst.idx.add.f32.msk $0xffff, v1  }
0x7c: {  	v2 =	vld [tilespmem:$0x520];
	_ =	sdelay $0x7  }
0x7d: {  	[tilespmem:v2+s20+$0x0] =	vst.idx.add.f32.msk $0xffff, v1  }
0x7e: {  	v2 =	vld [tilespmem:$0x530];
	_ =	sdelay $0x7  }
0x7f: {  	[tilespmem:v2+s20+$0x0] =	vst.idx.add.f32.msk $0xffff, v1  }
0x80: {  	v2 =	vld [tilespmem:$0x540];
	_ =	sdelay $0x7  }
0x81: {  	[tilespmem:v2+s20+$0x0] =	vst.idx.add.f32.msk $0xffff, v1  }
0x82: {  	v2 =	vld [tilespmem:$0x550];
	_ =	sdelay $0x7  }
0x83: {  	[tilespmem:v2+s20+$0x0] =	vst.idx.add.f32.msk $0xffff, v1  }
0x84: {  	v2 =	vld [tilespmem:$0x560];
	_ =	sdelay $0x7  }
0x85: {  	[tilespmem:v2+s20+$0x0] =	vst.idx.add.f32.msk $0xffff, v1  }
0x86: {  	v2 =	vld [tilespmem:$0x570];
	_ =	sdelay $0x7  }
0x87: {  	[tilespmem:v2+s20+$0x0] =	vst.idx.add.f32.msk $0xffff, v1  }
0x88: {  	_ =	swait.ge [sflag:s21], $0x4000  }
0x89: {  	[sflag:s21] =	ssyncset.done $0x0  }
0x8a: {  	[sflag:s21] =	ssyncadd.s32 $0xFFFFC000  }
0x8b: {  	[spmem:s2] =	stream.indirect.scatter.add.f32 [tilespmem:s15], [sflag:$0x3], $0x80, s28, s18, $0x2000b8;
	[tilespmem:$0x1EF80] =	vst v63  }
0x8c: {  	_ =	swait.ge [sflag:s16], $0x4000  }
0x8d: {  	[sflag:s16] =	ssyncset.done $0x0  }
0x8e: {  	[sflag:s16] =	ssyncadd.s32 $0xFFFFC000  }
0x8f: {  	[tilespmem:s15], [sflag:$0x1] =	stream.indirect.gather [hbm4b:s1+s18], $0x80, s29, s18, $0x2000b8;
	[tilespmem:$0x1EF80] =	vst v63  }
0x90: {  	v2 =	vld [tilespmem:$0x580];
	_ =	sdelay $0x7  }
0x91: {  	[tilespmem:v2+s20+$0x0] =	vst.idx.add.f32.msk $0xffff, v1  }
0x92: {  	v2 =	vld [tilespmem:$0x590];
	_ =	sdelay $0x7  }
0x93: {  	[tilespmem:v2+s20+$0x0] =	vst.idx.add.f32.msk $0xffff, v1  }
0x94: {  	v2 =	vld [tilespmem:$0x5A0];
	_ =	sdelay $0x7  }
0x95: {  	[tilespmem:v2+s20+$0x0] =	vst.idx.add.f32.msk $0xffff, v1  }
0x96: {  	v2 =	vld [tilespmem:$0x5B0];
	_ =	sdelay $0x7  }
0x97: {  	[tilespmem:v2+s20+$0x0] =	vst.idx.add.f32.msk $0xffff, v1  }
0x98: {  	v2 =	vld [tilespmem:$0x5C0];
	_ =	sdelay $0x7  }
0x99: {  	[tilespmem:v2+s20+$0x0] =	vst.idx.add.f32.msk $0xffff, v1  }
0x9a: {  	v2 =	vld [tilespmem:$0x5D0];
	_ =	sdelay $0x7  }
0x9b: {  	[tilespmem:v2+s20+$0x0] =	vst.idx.add.f32.msk $0xffff, v1  }
0x9c: {  	v2 =	vld [tilespmem:$0x5E0];
	_ =	sdelay $0x7  }
0x9d: {  	[tilespmem:v2+s20+$0x0] =	vst.idx.add.f32.msk $0xffff, v1  }
0x9e: {  	v2 =	vld [tilespmem:$0x5F0];
	_ =	sdelay $0x7  }
0x9f: {  	[tilespmem:v2+s20+$0x0] =	vst.idx.add.f32.msk $0xffff, v1  }
0xa0: {  	_ =	swait.ge [sflag:s23], $0x4000  }
0xa1: {  	[sflag:s23] =	ssyncset.done $0x0  }
0xa2: {  	[sflag:s23] =	ssyncadd.s32 $0xFFFFC000  }
0xa3: {  	[spmem:s2] =	stream.indirect.scatter.add.f32 [tilespmem:s19], [sflag:$0x3], $0x80, s30, s18, $0x2000b8;
	[tilespmem:$0x1EF80] =	vst v63  }
0xa4: {  	_ =	swait.ge [sflag:s16], $0x4000  }
0xa5: {  	[sflag:s16] =	ssyncset.done $0x0  }
0xa6: {  	[sflag:s16] =	ssyncadd.s32 $0xFFFFC000  }
0xa7: {  	[tilespmem:s19], [sflag:$0x2] =	stream.indirect.gather [hbm4b:s1+s18], $0x80, s31, s18, $0x2000b8;
	[tilespmem:$0x1EF80] =	vst v63  }
0xa8: {  	v2 =	vld [tilespmem:$0x600];
	_ =	sdelay $0x7  }
0xa9: {  	[tilespmem:v2+s20+$0x0] =	vst.idx.add.f32.msk $0xffff, v1  }
0xaa: {  	v2 =	vld [tilespmem:$0x610];
	_ =	sdelay $0x7  }
0xab: {  	[tilespmem:v2+s20+$0x0] =	vst.idx.add.f32.msk $0xffff, v1  }
0xac: {  	v2 =	vld [tilespmem:$0x620];
	_ =	sdelay $0x7  }
0xad: {  	[tilespmem:v2+s20+$0x0] =	vst.idx.add.f32.msk $0xffff, v1  }
0xae: {  	v2 =	vld [tilespmem:$0x630];
	_ =	sdelay $0x7  }
0xaf: {  	[tilespmem:v2+s20+$0x0] =	vst.idx.add.f32.msk $0xffff, v1  }
0xb0: {  	v2 =	vld [tilespmem:$0x640];
	_ =	sdelay $0x7  }
0xb1: {  	[tilespmem:v2+s20+$0x0] =	vst.idx.add.f32.msk $0xffff, v1  }
0xb2: {  	v2 =	vld [tilespmem:$0x650];
	_ =	sdelay $0x7  }
0xb3: {  	[tilespmem:v2+s20+$0x0] =	vst.idx.add.f32.msk $0xffff, v1  }
0xb4: {  	v2 =	vld [tilespmem:$0x660];
	_ =	sdelay $0x7  }
0xb5: {  	[tilespmem:v2+s20+$0x0] =	vst.idx.add.f32.msk $0xffff, v1  }
0xb6: {  	v2 =	vld [tilespmem:$0x670];
	_ =	sdelay $0x7  }
0xb7: {  	[tilespmem:v2+s20+$0x0] =	vst.idx.add.f32.msk $0xffff, v1  }
0xb8: {  	_ =	swait.ge [sflag:s21], $0x4000  }
0xb9: {  	[sflag:s21] =	ssyncset.done $0x0  }
0xba: {  	[sflag:s21] =	ssyncadd.s32 $0xFFFFC000  }
0xbb: {  	[spmem:s2] =	stream.indirect.scatter.add.f32 [tilespmem:s15], [sflag:$0x3], $0x80, s0, s18, $0x2000b8;
	[tilespmem:$0x1EF80] =	vst v63  }
0xbc: {  	_ =	swait.ge [sflag:s16], $0x4000  }
0xbd: {  	[sflag:s16] =	ssyncset.done $0x0  }
0xbe: {  	[sflag:s16] =	ssyncadd.s32 $0xFFFFC000  }
0xbf: {  	[tilespmem:s15], [sflag:$0x1] =	stream.indirect.gather [hbm4b:s1+s18], $0x80, s3, s18, $0x2000b8;
	[tilespmem:$0x1EF80] =	vst v63  }
0xc0: {  	v2 =	vld [tilespmem:$0x680];
	_ =	sdelay $0x7  }
0xc1: {  	[tilespmem:v2+s20+$0x0] =	vst.idx.add.f32.msk $0xffff, v1  }
0xc2: {  	v2 =	vld [tilespmem:$0x690];
	_ =	sdelay $0x7  }
0xc3: {  	[tilespmem:v2+s20+$0x0] =	vst.idx.add.f32.msk $0xffff, v1  }
0xc4: {  	v2 =	vld [tilespmem:$0x6A0];
	_ =	sdelay $0x7  }
0xc5: {  	[tilespmem:v2+s20+$0x0] =	vst.idx.add.f32.msk $0xffff, v1  }
0xc6: {  	v2 =	vld [tilespmem:$0x6B0];
	_ =	sdelay $0x7  }
0xc7: {  	[tilespmem:v2+s20+$0x0] =	vst.idx.add.f32.msk $0xffff, v1  }
0xc8: {  	v2 =	vld [tilespmem:$0x6C0];
	_ =	sdelay $0x7  }
0xc9: {  	[tilespmem:v2+s20+$0x0] =	vst.idx.add.f32.msk $0xffff, v1  }
0xca: {  	v2 =	vld [tilespmem:$0x6D0];
	_ =	sdelay $0x7  }
0xcb: {  	[tilespmem:v2+s20+$0x0] =	vst.idx.add.f32.msk $0xffff, v1  }
0xcc: {  	v2 =	vld [tilespmem:$0x6E0];
	_ =	sdelay $0x7  }
0xcd: {  	[tilespmem:v2+s20+$0x0] =	vst.idx.add.f32.msk $0xffff, v1  }
0xce: {  	v2 =	vld [tilespmem:$0x6F0];
	_ =	sdelay $0x7  }
0xcf: {  	[tilespmem:v2+s20+$0x0] =	vst.idx.add.f32.msk $0xffff, v1  }
0xd0: {  	_ =	swait.ge [sflag:s23], $0x4000  }
0xd1: {  	[sflag:s23] =	ssyncset.done $0x0  }
0xd2: {  	[sflag:s23] =	ssyncadd.s32 $0xFFFFC000  }
0xd3: {  	[spmem:s2] =	stream.indirect.scatter.add.f32 [tilespmem:s19], [sflag:$0x3], $0x80, s5, s18, $0x2000b8;
	[tilespmem:$0x1EF80] =	vst v63  }
0xd4: {  	_ =	swait.ge [sflag:s16], $0x4000  }
0xd5: {  	[sflag:s16] =	ssyncset.done $0x0  }
0xd6: {  	[sflag:s16] =	ssyncadd.s32 $0xFFFFC000  }
0xd7: {  	[tilespmem:s19], [sflag:$0x2] =	stream.indirect.gather [hbm4b:s1+s18], $0x80, s7, s18, $0x2000b8;
	[tilespmem:$0x1EF80] =	vst v63  }
0xd8: {  	v2 =	vld [tilespmem:$0x700];
	_ =	sdelay $0x7  }
0xd9: {  	[tilespmem:v2+s20+$0x0] =	vst.idx.add.f32.msk $0xffff, v1  }
0xda: {  	v2 =	vld [tilespmem:$0x710];
	_ =	sdelay $0x7  }
0xdb: {  	[tilespmem:v2+s20+$0x0] =	vst.idx.add.f32.msk $0xffff, v1  }
0xdc: {  	v2 =	vld [tilespmem:$0x720];
	_ =	sdelay $0x7  }
0xdd: {  	[tilespmem:v2+s20+$0x0] =	vst.idx.add.f32.msk $0xffff, v1  }
0xde: {  	v2 =	vld [tilespmem:$0x730];
	_ =	sdelay $0x7  }
0xdf: {  	[tilespmem:v2+s20+$0x0] =	vst.idx.add.f32.msk $0xffff, v1  }
0xe0: {  	v2 =	vld [tilespmem:$0x740];
	_ =	sdelay $0x7  }
0xe1: {  	[tilespmem:v2+s20+$0x0] =	vst.idx.add.f32.msk $0xffff, v1  }
0xe2: {  	v2 =	vld [tilespmem:$0x750];
	_ =	sdelay $0x7  }
0xe3: {  	[tilespmem:v2+s20+$0x0] =	vst.idx.add.f32.msk $0xffff, v1  }
0xe4: {  	v2 =	vld [tilespmem:$0x760];
	_ =	sdelay $0x7  }
0xe5: {  	[tilespmem:v2+s20+$0x0] =	vst.idx.add.f32.msk $0xffff, v1  }
0xe6: {  	v2 =	vld [tilespmem:$0x770];
	_ =	sdelay $0x7  }
0xe7: {  	[tilespmem:v2+s20+$0x0] =	vst.idx.add.f32.msk $0xffff, v1  }
0xe8: {  	_ =	swait.ge [sflag:s21], $0x4000  }
0xe9: {  	[sflag:s21] =	ssyncset.done $0x0  }
0xea: {  	[sflag:s21] =	ssyncadd.s32 $0xFFFFC000  }
0xeb: {  	[spmem:s2] =	stream.indirect.scatter.add.f32 [tilespmem:s15], [sflag:$0x3], $0x80, s8, s18, $0x2000b8;
	[tilespmem:$0x1EF80] =	vst v63  }
0xec: {  	_ =	swait.ge [sflag:s16], $0x4000  }
0xed: {  	[sflag:s16] =	ssyncset.done $0x0  }
0xee: {  	[sflag:s16] =	ssyncadd.s32 $0xFFFFC000  }
0xef: {  	v2 =	vld [tilespmem:$0x780];
	_ =	sdelay $0x7  }
0xf0: {  	[tilespmem:v2+s20+$0x0] =	vst.idx.add.f32.msk $0xffff, v1  }
0xf1: {  	v2 =	vld [tilespmem:$0x790];
	_ =	sdelay $0x7  }
0xf2: {  	[tilespmem:v2+s20+$0x0] =	vst.idx.add.f32.msk $0xffff, v1  }
0xf3: {  	v2 =	vld [tilespmem:$0x7A0];
	_ =	sdelay $0x7  }
0xf4: {  	[tilespmem:v2+s20+$0x0] =	vst.idx.add.f32.msk $0xffff, v1  }
0xf5: {  	v2 =	vld [tilespmem:$0x7B0];
	_ =	sdelay $0x7  }
0xf6: {  	[tilespmem:v2+s20+$0x0] =	vst.idx.add.f32.msk $0xffff, v1  }
0xf7: {  	v2 =	vld [tilespmem:$0x7C0];
	_ =	sdelay $0x7  }
0xf8: {  	[tilespmem:v2+s20+$0x0] =	vst.idx.add.f32.msk $0xffff, v1  }
0xf9: {  	v2 =	vld [tilespmem:$0x7D0];
	_ =	sdelay $0x7  }
0xfa: {  	[tilespmem:v2+s20+$0x0] =	vst.idx.add.f32.msk $0xffff, v1  }
0xfb: {  	v2 =	vld [tilespmem:$0x7E0];
	_ =	sdelay $0x7  }
0xfc: {  	[tilespmem:v2+s20+$0x0] =	vst.idx.add.f32.msk $0xffff, v1  }
0xfd: {  	v2 =	vld [tilespmem:$0x7F0];
	_ =	sdelay $0x7  }
0xfe: {  	[tilespmem:v2+s20+$0x0] =	vst.idx.add.f32.msk $0xffff, v1  }
0xff: {  	_ =	swait.ge [sflag:s23], $0x4000  }
0x100: {  	p0 =	sne.s32 s11, $0x480;
	[sflag:s23] =	ssyncset.done $0x0  }
.Ltmp1:
0x101: {  	[sflag:s23] =	ssyncadd.s32 $0xFFFFC000;
	(pc) =	sbr.rel @p0 .LBB2_4-.Ltmp1, $4  }
0x102: {  	[spmem:s2] =	stream.indirect.scatter.add.f32 [tilespmem:s19], [sflag:$0x3], $0x80, s9, s18, $0x2000b8;
	[tilespmem:$0x1EF80] =	vst v63  }
0x103: {  	_ =	swait.ge [sflag:s16], $0x4000  }
0x104: {  	[sflag:s16] =	ssyncset.done $0x0  }
0x105: {  	s11 =	sadd.s32 $0x80, s11;
	[sflag:s16] =	ssyncadd.s32 $0xFFFFC000  }
0x106: {  	_ =	strace $0x90000049;
	s11 =	stileid.u32  }
0x107: {  	[bflag:$0x0] =	sbarrier.arrive $0xFFFF;
	s11 =	sshll.u32 s11, $0x6  }
0x108: {  	s12 =	sshrl.u32 s6, $0x3;
	_ =	strace $0x8000004A;
	s11 =	sor.u32 $0x1C03, s11  }
0x109: {  	[hbm:s24], [sflag:s11] =	dma.local [spmem:s12], $0x2800  }
0x10a: {  	_ =	swait.ge [sflag:s16], $0x2800  }
0x10b: {  	[sflag:s16] =	ssyncset.done $0x0  }
0x10c: {  	s12 =	rddreg [dreg:$0x6];
	[sflag:s16] =	ssyncadd.s32 $0xFFFFD800  }
0x10d: {  	[hbm4b:s12+s4] =	stream.linear.scatter [tilespmem:s20], [sflag:$0x3], $0x2720, $0x200038;
	[tilespmem:$0x1EF80] =	vst v63  }
0x10e: {  	_ =	swait.ge [sflag:s16], $0x2720  }
0x10f: {  	s10 =	sadd.s32 $0x1, s10;
	s12 =	rddreg [dreg:$0x7]  }
0x110: {  	p0 =	sne.s32 s10, s12  }
.Ltmp2:
0x111: {  	_ = 	snop;
	(pc) =	sbr.rel @p0 .LBB2_1-.Ltmp2, $4  }
0x112: {  	_ = 	snop  }
0x113: {  	[sflag:s16] =	ssyncset.done $0x0  }
0x114: {  	[sflag:s16] =	ssyncadd.s32 $0xFFFFD8E0  }
0x115: {  	_ =	strace $0x9000004A  }
0x116: {  	_ =	sfence.sel $0x180000  }
0x117: {  	[bflag:$0x0] =	sbarrier.arrive $0xFFFF  }
0x118: {  	_ =	strace $0x90000047  }
0x119: {  	s0 =	stileid.u32;
	[bflag:$0x2] =	sbarrier.arrive $0xFFFF  }
0x11a: {  	p0 =	sne.s32 s0, $0x0;
	s0 =	rddreg [dreg:$0x4]  }
0x11b: {  	s0 =	sadd.s32 @!p0 $0x100000, s0  }
0x11c: {  	[sflag:s0] =	ssyncadd.tile.s32 @!p0 $0x1;
	_ =	shalt  }
.Lfunc_end2:
_tile_overlayer_lowered:
.L_overlay_start_2:
0x11d: {  	(tag) =	ssettag $0x2  }
0x11e: {  	s0 =	rddreg [dreg:$0x0];
	s2 =	stileid.u32  }
0x11f: {  	s1 =	rddreg [dreg:$0x1];
	p0 =	sne.s32 s2, $0x0  }
0x120: {  	s3 =	rddreg [dreg:$0x2];
	[bflag:$0x3] =	sbarrier.arrive $0xFFFF;
	s2 =	simm.s32 @!p0 $0x1C03  }
0x121: {  	[timem:s3], [sflag:s2] =	dma.local @!p0 [hbm:s0], s1  }
0x122: {  	s0 =	simm.s32 @!p0 $0x3  }
0x123: {  	_ =	swait.ge @!p0 [sflag:s0], s1  }
0x124: {  	s1 =	ssub.s32 @!p0 $0x0, s1;
	[sflag:s0] =	ssyncset.done @!p0 $0x0  }
0x125: {  	[sflag:s0] =	ssyncadd.s32 @!p0 s1  }
0x126: {  	[bflag:$0x3] =	sbarrier.arrive $0xFFFF  }
0x127: {  	_ =	shalt  }

// kernel: kernel.9.cloned.1.call-start
scs
__scs_entry_jumppad:
0x0: {  	(pc) =	sbr.rel $0x88, $3  }
0x1: {  	(tag) =	ssettag $0x0;
	lr =	simm.s32 $0x1  }
0x2: {  	[smem:$0x3F97] =	sst lr;
	_ =	strace $0xD0000000  }
0x3: {  	_ = 	snop  }
0x4: {  	_ = 	snop  }
0x5: {  	_ = 	snop  }
0x6: {  	_ = 	snop  }
0x7: {  	_ = 	snop  }
__scs_overlays_trampoline_lowered:
0x8: {  	[smem:$0x3FA6] =	sst s0  }
0x9: {  	[smem:$0x3FA7] =	sst s1  }
0xa: {  	[smem:$0x3FA8] =	sst s2  }
0xb: {  	[smem:$0x3FA9] =	sst s3  }
0xc: {  	[smem:$0x3FAA] =	sst s4  }
0xd: {  	[smem:$0x3FAB] =	sst s5  }
0xe: {  	[smem:$0x3FAC] =	sst s6  }
0xf: {  	[smem:$0x3FAD] =	sst s7  }
0x10: {  	[smem:$0x3FAE] =	sst s8  }
0x11: {  	[smem:$0x3FAF] =	sst s9;
	s0 =	simm.s32 @!p0 $0x0  }
0x12: {  	s1 =	sld [smem:$0x3F95];
	s0 =	simm.s32 @p0 $0x1  }
0x13: {  	[smem:$0x3FB0] =	sst s0;
	s0 =	simm.s32 @!p1 $0x0  }
0x14: {  	s2 =	sld [smem:$0x3F94];
	s0 =	simm.s32 @p1 $0x1  }
0x15: {  	[smem:$0x3FB1] =	sst s0;
	s0 =	simm.s32 @!p2 $0x0  }
0x16: {  	s3 =	sld [smem:$0x3FDB];
	s0 =	simm.s32 @p2 $0x1  }
0x17: {  	s4 =	simm.s32 $0x1BF5;
	[smem:$0x3FB3] =	sst s0  }
0x18: {  	s0 =	sld [smem:$0x3F96];
	_ =	swait.ge [sflag:s4], $0x0  }
0x19: {  	s7 =	sld [smem:$0x3F97]  }
0x1a: {  	s8 =	sadd.s32 $0xFFFFE003, lr  }
0x1b: {  	s9 =	sadd.s32 $0xFFFFFEF7, lr;
	s5 =	simm.s32 $0xFFFFFFFF;
	p2 =	slt.u32 s8, $0xFFFFF086  }
0x1c: {  	p1 =	slt.u32 s9, $0xF7A;
	s5 =	simm.s32 @!p2 $0x0  }
0x1d: {  	s5 =	simm.s32 @p1 $0x1;
	p0 =	seq.s32 s7, s2  }
0x1e: {  	s7 =	smul.u32 @!p0 $0xF7A, s2;
	p2 =	seq.s32 @!p0 s5, $0x0  }
0x1f: {  	s9 =	smul.u32 $0xF7A, s1;
	s8 =	simm.s32 @!p0 $0x1BF5;
	p2 =	por !p2, p0  }
0x20: {  	[sflag:s8] =	ssyncset.s32 @!p0 $0xFFFFF086;
	s6 =	sadd.s32 @!p0 s3, s7;
	s7 =	simm.s32 @!p0 $0x108  }
0x21: {  	s3 =	sadd.s32 s3, s9;
	s6 =	sadd.s32 @!p0 $0x88, s6;
	s7 =	simm.s32 @p2 $0x1082  }
0x22: {  	[simem:s7], [sflag:s8] =	dma.local @!p0 [hbm:s6], $0xF7A  }
0x23: {  	s9 =	sor.u32 $0xD0000000, s2;
	s6 =	simm.s32 $0x108;
	_ =	swait.ge @!p0 [sflag:s8], $0x0  }
0x24: {  	s3 =	sadd.s32 $0x88, s3;
	s6 =	simm.s32 @!p1 $0x1082;
	[sflag:s4] =	ssyncset.s32 $0xFFFFF086  }
0x25: {  	[simem:s6], [sflag:s4] =	dma.local [hbm:s3], $0xF7A  }
0x26: {  	[smem:$0x3F97] =	sst s1;
	(tag) =	ssettag s2;
	_ =	strace s9  }
0x27: {  	s1 =	sld [smem:$0x3FA7]  }
0x28: {  	s2 =	sld [smem:$0x3FA8]  }
0x29: {  	s4 =	sld [smem:$0x3FAA]  }
0x2a: {  	p0 =	seq.s32 s5, $0x0;
	s5 =	sld [smem:$0x3FAB]  }
0x2b: {  	s6 =	sld [smem:$0x3FAC]  }
0x2c: {  	s7 =	sld [smem:$0x3FAD]  }
0x2d: {  	s3 =	simm.s32 $0x108;
	s8 =	sld [smem:$0x3FAE]  }
0x2e: {  	s3 =	simm.s32 @!p0 $0x1082;
	s9 =	sld [smem:$0x3FAF]  }
0x2f: {  	lr =	sadd.s32 s0, s3;
	s0 =	sld [smem:$0x3FA6]  }
0x30: {  	s3 =	sld [smem:$0x3FA9]  }
0x31: {  	[smem:$0x3FB2] =	sst s10  }
0x32: {  	s10 =	sld [smem:$0x3FB0];
	_ =	sdelay $0x3  }
0x33: {  	p0 =	seq.s32 s10, $0x1;
	s10 =	sld [smem:$0x3FB2];
	_ =	sdelay $0x3  }
0x34: {  	[smem:$0x3FB2] =	sst s10  }
0x35: {  	s10 =	sld [smem:$0x3FB1];
	_ =	sdelay $0x3  }
0x36: {  	p1 =	seq.s32 s10, $0x1;
	s10 =	sld [smem:$0x3FB2];
	_ =	sdelay $0x3  }
0x37: {  	[smem:$0x3FB2] =	sst s10  }
0x38: {  	s10 =	sld [smem:$0x3FB3]  }
0x39: {  	_ = 	snop;
	(pc) =	sbr.ind lr, $3  }
0x3a: {  	_ = 	snop  }
0x3b: {  	_ = 	snop  }
0x3c: {  	p2 =	seq.s32 s10, $0x1;
	s10 =	sld [smem:$0x3FB2]  }
0x3d: {  	_ =	shalt  }
0x3e: {  	_ =	shalt  }
0x3f: {  	_ =	shalt  }
0x40: {  	_ =	shalt  }
0x41: {  	_ =	shalt  }
0x42: {  	_ =	shalt  }
0x43: {  	_ =	shalt  }
0x44: {  	_ =	shalt  }
0x45: {  	_ =	shalt  }
0x46: {  	_ =	shalt  }
0x47: {  	_ =	shalt  }
0x48: {  	_ =	shalt  }
0x49: {  	_ =	shalt  }
0x4a: {  	_ =	shalt  }
0x4b: {  	_ =	shalt  }
0x4c: {  	_ =	shalt  }
0x4d: {  	_ =	shalt  }
0x4e: {  	_ =	shalt  }
0x4f: {  	_ =	shalt  }
0x50: {  	_ =	shalt  }
0x51: {  	_ =	shalt  }
0x52: {  	_ =	shalt  }
0x53: {  	_ =	shalt  }
0x54: {  	_ =	shalt  }
0x55: {  	_ =	shalt  }
0x56: {  	_ =	shalt  }
0x57: {  	_ =	shalt  }
0x58: {  	_ =	shalt  }
0x59: {  	_ =	shalt  }
0x5a: {  	_ =	shalt  }
0x5b: {  	_ =	shalt  }
0x5c: {  	_ =	shalt  }
0x5d: {  	_ =	shalt  }
0x5e: {  	_ =	shalt  }
0x5f: {  	_ =	shalt  }
0x60: {  	_ =	shalt  }
0x61: {  	_ =	shalt  }
0x62: {  	_ =	shalt  }
0x63: {  	_ =	shalt  }
0x64: {  	_ =	shalt  }
0x65: {  	_ =	shalt  }
0x66: {  	_ =	shalt  }
0x67: {  	_ =	shalt  }
0x68: {  	_ =	shalt  }
0x69: {  	_ =	shalt  }
0x6a: {  	_ =	shalt  }
0x6b: {  	_ =	shalt  }
0x6c: {  	_ =	shalt  }
0x6d: {  	_ =	shalt  }
0x6e: {  	_ =	shalt  }
0x6f: {  	_ =	shalt  }
0x70: {  	_ =	shalt  }
0x71: {  	_ =	shalt  }
0x72: {  	_ =	shalt  }
0x73: {  	_ =	shalt  }
0x74: {  	_ =	shalt  }
0x75: {  	_ =	shalt  }
0x76: {  	_ =	shalt  }
0x77: {  	_ =	shalt  }
0x78: {  	_ =	shalt  }
0x79: {  	_ =	shalt  }
0x7a: {  	_ =	shalt  }
0x7b: {  	_ =	shalt  }
0x7c: {  	_ =	shalt  }
0x7d: {  	_ =	shalt  }
0x7e: {  	_ =	shalt  }
0x7f: {  	_ =	shalt  }
0x80: {  	_ =	shalt  }
0x81: {  	_ =	shalt  }
0x82: {  	_ =	shalt  }
0x83: {  	_ =	shalt  }
0x84: {  	_ =	shalt  }
0x85: {  	_ =	shalt  }
0x86: {  	_ =	shalt  }
0x87: {  	_ =	shalt  }
.Lfunc_end0:
.L_simem_size_0:
called_computation.1_lowered:
.L_overlay_start_0:
0x88: {  	s2 =	sld [smem:$0x3FD9]  }
0x89: {  	s3 =	sld [smem:$0x3FFE];
	_ =	sdelay $0x1  }
0x8a: {  	s1 =	srdreg.scid  }
0x8b: {  	s0 =	sand.u32 $0x1, s1  }
0x8c: {  	s17 =	sshll.u32 s0, $0xA;
	s2 =	sadd.s32 s3, s2  }
0x8d: {  	s2 =	sadd.s32 s2, s17  }
0x8e: {  	[smem:$0x3FBE] =	sst s2  }
0x8f: {  	_ = 	snop  }
0x90: {  	s2 =	sld [smem:$0x3FD0];
	(tm) =	ssettm $0x1  }
0x91: {  	s18 =	sld [smem:$0x3FFB];
	_ =	sdelay $0x3  }
0x92: {  	_ =	strace s18  }
0x93: {  	s3 =	sld [smem:$0x3FFC];
	_ =	sdelay $0x3  }
0x94: {  	_ =	strace s3  }
0x95: {  	s3 =	sld [smem:$0x3FFD];
	_ =	sdelay $0x3  }
0x96: {  	_ =	strace s3  }
0x97: {  	_ =	strace $0x8FFFFFFF  }
0x98: {  	s19 =	sld [smem:$0x3FDB];
	_ =	sdelay $0x1  }
0x99: {  	s4 =	simm.s32 $_scs_section_size  }
0x9a: {  	s5 =	simm.s32 $_size__tile_overlayer_lowered;
	s6 =	simm.s32 $_tile_overlayer_lowered  }
0x9b: {  	s22 =	simm.s32 $0x1BFF;
	s21 =	sshll.u32 s6, $0x1;
	s3 =	sadd.s32 s4, s19  }
0x9c: {  	s7 =	simm.s32 $0x0;
	s20 =	sshll.u32 s5, $0x1;
	s5 =	sadd.s32 s21, s3  }
0x9d: {  	[timem:s7], [sflag:s22] =	dma.local [hbm:s5], s20  }
0x9e: {  	_ =	swait.ge [sflag:s22], s20  }
0x9f: {  	s4 =	ssub.s32 $0x0, s20;
	[sflag:s22] =	ssyncset.done $0x0  }
0xa0: {  	[sflag:s22] =	ssyncadd.s32 s4;
	_ =	sdelay $0x1  }
0xa1: {  	s23 =	simm.s32 $0x1B8B  }
0xa2: {  	_ =	swait.ge [sflag:s23], $0x1  }
0xa3: {  	[sflag:s23] =	ssyncset.done $0x0  }
0xa4: {  	s25 =	simm.s32 $0x1B8E;
	s24 =	sld [smem:$0x3FFE];
	[sflag:s23] =	ssyncadd.s32 $0xFFFFFFFF  }
0xa5: {  	s26 =	simm.s32 $execute0_lowered;
	[smem:$0x3FD2] =	sst s25  }
0xa6: {  	s5 =	sshll.u32 s26, $0x1;
	_ =	strace $0x8000004C;
	[dreg:$0x1] =	wrdreg $0xFFFFFFFF  }
0xa7: {  	s28 =	simm.s32 $_size_execute0_lowered;
	s3 =	sadd.s32 s3, s5;
	[dreg:$0x0] =	wrdreg $0x0  }
0xa8: {  	s5 =	sshll.u32 s28, $0x1;
	[dreg:$0x2] =	wrdreg s3  }
0xa9: {  	[dreg:$0x3] =	wrdreg s5  }
0xaa: {  	[dreg:$0x4] =	wrdreg $0xC0  }
0xab: {  	_ =	task [dreg:s7], $0x5FFFF  }
0xac: {  	[dreg:$0x1] =	wrdreg $0xFFFFFFFF  }
0xad: {  	[dreg:$0x0] =	wrdreg $0x60  }
0xae: {  	[dreg:$0x2] =	wrdreg s24  }
0xaf: {  	[dreg:$0x3] =	wrdreg s2  }
0xb0: {  	[dreg:$0x4] =	wrdreg $0x88000  }
0xb1: {  	[dreg:$0x5] =	wrdreg $0x9  }
0xb2: {  	_ =	task.clear_ibuf [dreg:s7], $0x6FFFF;
	_ =	strace $0x9000004C  }
0xb3: {  	s29 =	simm.s32 $0x9;
	_ =	strace $0x80000051  }
0xb4: {  	_ =	swait.ge [sflag:s29], $0x1  }
0xb5: {  	[sflag:s29] =	ssyncadd.s32 $0xFFFFFFFF  }
0xb6: {  	_ =	strace $0x90000051  }
0xb7: {  	_ =	sfence  }
0xb8: {  	s30 =	sld [smem:$0x0];
	_ =	sdelay $0x2  }
0xb9: {  	s31 =	sshll.u32 s1, $0xD;
	s1 =	sshrl.u32 s1, $0x2  }
0xba: {  	s3 =	sand.u32 $0x4000, s31;
	s1 =	sadd.s32 s1, s30  }
0xbb: {  	s0 =	sor.u32 s3, s0;
	s1 =	sshll.u32 s1, $0x11  }
0xbc: {  	s0 =	sor.u32 s1, s0  }
0xbd: {  	s0 =	sadd.s32 $0x8F2B, s0  }
0xbe: {  	[sflag:s0] =	ssyncadd.remote.s32 $0x1  }
0xbf: {  	_ =	sfence.sel $0xFFFF  }
0xc0: {  	[dreg:$0x0] =	wrdreg $0xFFFFFFFF;
	(pc) =	sbr.abs _section_cstart, $3  }
0xc1: {  	[dreg:$0x1] =	wrdreg $0xFFFFFFFF  }
0xc2: {  	_ =	task.clear_ibuf [dreg:s7], $0x2FFFF;
	_ =	strace $0x9FFFFFFF  }
0xc3: {  	(tm) =	ssettm $0x7FFFFFFF  }
tec
execute0_lowered:
.L_overlay_start_1:
0x0: {  	(tag) =	ssettag $0x1  }
0x1: {  	s0 =	rddreg [dreg:$0x0]  }
0x2: {  	s3 =	rddreg [dreg:$0x1]  }
0x3: {  	s1 =	rddreg [dreg:$0x2]  }
0x4: {  	s4 =	srdreg.scid;
	s2 =	simm.s32 $0x0;
	s10 =	stileid.u32  }
0x5: {  	s14 =	simm.s32 $0x800;
	s15 =	simm.s32 $0x3;
	s16 =	simm.s32 $0x400  }
0x6: {  	s17 =	simm.s32 $0x80;
	s18 =	simm.s32 $0x4800;
	s19 =	simm.s32 $0x1  }
0x7: {  	s20 =	simm.s32 $0x100;
	s28 =	simm.s32 $0x580;
	s29 =	simm.s32 $0x280  }
0x8: {  	s30 =	simm.s32 $0x600;
	s31 =	simm.s32 $0x300;
	s8 =	smul.u32 $0x50000, s10  }
0x9: {  	s5 =	sand.u32 $0x1, s4;
	[smem:$0x7FF] =	sst s2;
	s22 =	smul.u32 $0x500, s10  }
0xa: {  	s4 =	sadd.s32 $0xCC00, s0;
	s11 =	sadd.s32 $0xC400, s0;
	s7 =	smul.u32 $0x5000, s5  }
0xb: {  	s6 =	smul.u32 $0x28000, s5;
	_ =	strace $0x8000004D;
	s5 =	ssub.s32 $0x2, s5  }
0xc: {  	[dreg:$0x4] =	wrdreg s11;
	s21 =	sshrl.u32 s5, $0x1;
	s8 =	sshrl.u32 s8, $0x2  }
0xd: {  	s9 =	sadd.s32 s7, s0;
	s0 =	sadd.s32 s6, s0;
	s5 =	ssub.s32 s5, s21  }
0xe: {  	s11 =	sadd.s32 s8, s1;
	s8 =	smul.u32 $0x2800, s10;
	s3 =	sadd.s32 s7, s3  }
0xf: {  	s21 =	simm.s32 $0x2;
	s5 =	smax.u32 s5, $0x1;
	[dreg:$0x5] =	wrdreg s11  }
0x10: {  	s7 =	simm.s32 $0x780;
	s23 =	sadd.s32 $0x4000, s11;
	[dreg:$0x6] =	wrdreg s5  }
0x11: {  	s0 =	sadd.s32 $0x33E00, s0;
	s24 =	sadd.s32 $0x8000, s11;
	[dreg:$0x7] =	wrdreg s23  }
0x12: {  	s25 =	sadd.s32 $0xC000, s11;
	s26 =	sadd.s32 $0x10000, s11;
	[dreg:$0x8] =	wrdreg s24  }
0x13: {  	s9 =	sadd.s32 s22, s9;
	s13 =	sadd.s32 s22, s3;
	[dreg:$0x9] =	wrdreg s25  }
0x14: {  	s22 =	simm.s32 $0x480;
	s3 =	simm.s32 $0x380;
	[dreg:$0xa] =	wrdreg s26  }
0x15: {  	s12 =	sadd.s32 $0x2400, s9;
	s23 =	simm.s32 $0x180;
	s0 =	sadd.s32 s8, s0  }
0x16: {  	s25 =	simm.s32 $0x500;
	s26 =	simm.s32 $0x200;
	s5 =	simm.s32 $0x700  }
0x17: {  	s8 =	simm.s32 $0x0;
	[dreg:$0xb] =	wrdreg s0;
	s0 =	simm.s32 $0x680  }
.LBB2_1:
0x18: {  	_ =	strace $0x8000004E  }
0x19: {  	s6 =	rddreg [dreg:$0x4]  }
0x1a: {  	[tilespmem:s14], [sflag:$0x3] =	stream.linear.gather [hbm4b:s6+s2], $0x4000, $0x200038;
	[tilespmem:$0x1C800] =	vst v63  }
0x1b: {  	_ =	swait.ge [sflag:s15], $0x4000  }
0x1c: {  	[sflag:s15] =	ssyncset.done $0x0  }
0x1d: {  	[sflag:s15] =	ssyncadd.s32 $0xFFFFC000  }
0x1e: {  	[spmem:s11] =	stream.linear.scatter [tilespmem:s14], [sflag:$0x3], $0x4000, $0x200038;
	[tilespmem:$0x1C800] =	vst v63  }
0x1f: {  	_ =	swait.ge [sflag:s15], $0x4000  }
0x20: {  	[sflag:s15] =	ssyncset.done $0x0  }
0x21: {  	s24 =	rddreg [dreg:$0x7];
	[sflag:s15] =	ssyncadd.s32 $0xFFFFC000  }
0x22: {  	[spmem:s24] =	stream.linear.scatter [tilespmem:s14], [sflag:$0x3], $0x4000, $0x200038;
	[tilespmem:$0x1C800] =	vst v63  }
0x23: {  	_ =	swait.ge [sflag:s15], $0x4000  }
0x24: {  	[sflag:s15] =	ssyncset.done $0x0  }
0x25: {  	s9 =	rddreg [dreg:$0x8];
	[sflag:s15] =	ssyncadd.s32 $0xFFFFC000  }
0x26: {  	[spmem:s9] =	stream.linear.scatter [tilespmem:s14], [sflag:$0x3], $0x4000, $0x200038;
	[tilespmem:$0x1C800] =	vst v63  }
0x27: {  	_ =	swait.ge [sflag:s15], $0x4000  }
0x28: {  	[sflag:s15] =	ssyncset.done $0x0  }
0x29: {  	s10 =	rddreg [dreg:$0x9];
	[sflag:s15] =	ssyncadd.s32 $0xFFFFC000  }
0x2a: {  	[spmem:s10] =	stream.linear.scatter [tilespmem:s14], [sflag:$0x3], $0x4000, $0x200038;
	[tilespmem:$0x1C800] =	vst v63  }
0x2b: {  	_ =	swait.ge [sflag:s15], $0x4000  }
0x2c: {  	[sflag:s15] =	ssyncset.done $0x0  }
0x2d: {  	s11 =	rddreg [dreg:$0xa];
	[sflag:s15] =	ssyncadd.s32 $0xFFFFC000  }
0x2e: {  	[spmem:s11] =	stream.linear.scatter [tilespmem:s14], [sflag:$0x3], $0x4000, $0x200038;
	[tilespmem:$0x1C800] =	vst v63  }
0x2f: {  	_ =	swait.ge [sflag:s15], $0x4000  }
0x30: {  	[sflag:s15] =	ssyncset.done $0x0  }
0x31: {  	[sflag:s15] =	ssyncadd.s32 $0xFFFFC000  }
0x32: {  	_ =	strace $0x9000004E  }
0x33: {  	[bflag:$0x0] =	sbarrier.arrive $0xFFFF  }
0x34: {  	s9 =	sadd.s32 $0x0, s13;
	_ =	strace $0x8000004F  }
0x35: {  	[tilespmem:s2], [sflag:$0x3] =	stream.linear.gather [hbm4b:s9+s2], $0x400, $0x200038;
	[tilespmem:$0x1C800] =	vst v63  }
0x36: {  	_ =	swait.ge [sflag:s15], $0x400  }
0x37: {  	[sflag:s15] =	ssyncset.done $0x0  }
0x38: {  	s24 =	sadd.s32 $0x0, s12;
	[sflag:s15] =	ssyncadd.s32 $0xFFFFFC00  }
0x39: {  	[tilespmem:s16], [sflag:$0x3] =	stream.linear.gather [hbm4b:s24+s2], $0x400, $0x200038;
	[tilespmem:$0x1C800] =	vst v63  }
0x3a: {  	_ =	swait.ge [sflag:s15], $0x400  }
0x3b: {  	[sflag:s15] =	ssyncset.done $0x0  }
0x3c: {  	[sflag:s15] =	ssyncadd.s32 $0xFFFFFC00  }
0x3d: {  	[tilespmem:s14], [sflag:$0x1] =	stream.indirect.gather [hbm4b:s4+s17], $0x80, s2, s17, $0x2000b8;
	[tilespmem:$0x1C800] =	vst v63  }
0x3e: {  	_ = 	snop  }
0x3f: {  	[tilespmem:s18], [sflag:$0x2] =	stream.indirect.gather [hbm4b:s4+s17], $0x80, s17, s17, $0x2000b8;
	[tilespmem:$0x1C800] =	vst v63  }
0x40: {  	_ =	swait.ge [sflag:s19], $0x4000  }
0x41: {  	[sflag:s19] =	ssyncset.done $0x0  }
0x42: {  	[sflag:s19] =	ssyncadd.s32 $0xFFFFC000  }
0x43: {  	[spmem:s1] =	stream.indirect.scatter.add.f32 [tilespmem:s14], [sflag:$0x3], $0x80, s16, s17, $0x2000b8;
	[tilespmem:$0x1C800] =	vst v63  }
0x44: {  	_ =	swait.ge [sflag:s15], $0x4000  }
0x45: {  	[sflag:s15] =	ssyncset.done $0x0  }
0x46: {  	[sflag:s15] =	ssyncadd.s32 $0xFFFFC000  }
0x47: {  	[tilespmem:s14], [sflag:$0x1] =	stream.indirect.gather [hbm4b:s4+s17], $0x80, s20, s17, $0x2000b8;
	[tilespmem:$0x1C800] =	vst v63  }
0x48: {  	_ =	swait.ge [sflag:s21], $0x4000  }
0x49: {  	[sflag:s21] =	ssyncset.done $0x0  }
0x4a: {  	[sflag:s21] =	ssyncadd.s32 $0xFFFFC000  }
0x4b: {  	[spmem:s1] =	stream.indirect.scatter.add.f32 [tilespmem:s18], [sflag:$0x3], $0x80, s22, s17, $0x2000b8;
	[tilespmem:$0x1C800] =	vst v63  }
0x4c: {  	_ =	swait.ge [sflag:s15], $0x4000  }
0x4d: {  	[sflag:s15] =	ssyncset.done $0x0  }
0x4e: {  	[sflag:s15] =	ssyncadd.s32 $0xFFFFC000  }
0x4f: {  	[tilespmem:s18], [sflag:$0x2] =	stream.indirect.gather [hbm4b:s4+s17], $0x80, s23, s17, $0x2000b8;
	[tilespmem:$0x1C800] =	vst v63  }
0x50: {  	_ =	swait.ge [sflag:s19], $0x4000  }
0x51: {  	[sflag:s19] =	ssyncset.done $0x0  }
0x52: {  	[sflag:s19] =	ssyncadd.s32 $0xFFFFC000  }
0x53: {  	[spmem:s1] =	stream.indirect.scatter.add.f32 [tilespmem:s14], [sflag:$0x3], $0x80, s25, s17, $0x2000b8;
	[tilespmem:$0x1C800] =	vst v63  }
0x54: {  	_ =	swait.ge [sflag:s15], $0x4000  }
0x55: {  	[sflag:s15] =	ssyncset.done $0x0  }
0x56: {  	[sflag:s15] =	ssyncadd.s32 $0xFFFFC000  }
0x57: {  	[tilespmem:s14], [sflag:$0x1] =	stream.indirect.gather [hbm4b:s4+s17], $0x80, s26, s17, $0x2000b8;
	[tilespmem:$0x1C800] =	vst v63  }
0x58: {  	_ =	swait.ge [sflag:s21], $0x4000  }
0x59: {  	[sflag:s21] =	ssyncset.done $0x0  }
0x5a: {  	[sflag:s21] =	ssyncadd.s32 $0xFFFFC000  }
0x5b: {  	[spmem:s1] =	stream.indirect.scatter.add.f32 [tilespmem:s18], [sflag:$0x3], $0x80, s28, s17, $0x2000b8;
	[tilespmem:$0x1C800] =	vst v63  }
0x5c: {  	_ =	swait.ge [sflag:s15], $0x4000  }
0x5d: {  	[sflag:s15] =	ssyncset.done $0x0  }
0x5e: {  	[sflag:s15] =	ssyncadd.s32 $0xFFFFC000  }
0x5f: {  	[tilespmem:s18], [sflag:$0x2] =	stream.indirect.gather [hbm4b:s4+s17], $0x80, s29, s17, $0x2000b8;
	[tilespmem:$0x1C800] =	vst v63  }
0x60: {  	_ =	swait.ge [sflag:s19], $0x4000  }
0x61: {  	[sflag:s19] =	ssyncset.done $0x0  }
0x62: {  	[sflag:s19] =	ssyncadd.s32 $0xFFFFC000  }
0x63: {  	[spmem:s1] =	stream.indirect.scatter.add.f32 [tilespmem:s14], [sflag:$0x3], $0x80, s30, s17, $0x2000b8;
	[tilespmem:$0x1C800] =	vst v63  }
0x64: {  	_ =	swait.ge [sflag:s15], $0x4000  }
0x65: {  	[sflag:s15] =	ssyncset.done $0x0  }
0x66: {  	[sflag:s15] =	ssyncadd.s32 $0xFFFFC000  }
0x67: {  	[tilespmem:s14], [sflag:$0x1] =	stream.indirect.gather [hbm4b:s4+s17], $0x80, s31, s17, $0x2000b8;
	[tilespmem:$0x1C800] =	vst v63  }
0x68: {  	_ =	swait.ge [sflag:s21], $0x4000  }
0x69: {  	[sflag:s21] =	ssyncset.done $0x0  }
0x6a: {  	[sflag:s21] =	ssyncadd.s32 $0xFFFFC000  }
0x6b: {  	[spmem:s1] =	stream.indirect.scatter.add.f32 [tilespmem:s18], [sflag:$0x3], $0x80, s0, s17, $0x2000b8;
	[tilespmem:$0x1C800] =	vst v63  }
0x6c: {  	_ =	swait.ge [sflag:s15], $0x4000  }
0x6d: {  	[sflag:s15] =	ssyncset.done $0x0  }
0x6e: {  	[sflag:s15] =	ssyncadd.s32 $0xFFFFC000  }
0x6f: {  	[tilespmem:s18], [sflag:$0x2] =	stream.indirect.gather [hbm4b:s4+s17], $0x80, s3, s17, $0x2000b8;
	[tilespmem:$0x1C800] =	vst v63  }
0x70: {  	_ =	swait.ge [sflag:s19], $0x4000  }
0x71: {  	[sflag:s19] =	ssyncset.done $0x0  }
0x72: {  	[sflag:s19] =	ssyncadd.s32 $0xFFFFC000  }
0x73: {  	[spmem:s1] =	stream.indirect.scatter.add.f32 [tilespmem:s14], [sflag:$0x3], $0x80, s5, s17, $0x2000b8;
	[tilespmem:$0x1C800] =	vst v63  }
0x74: {  	_ =	swait.ge [sflag:s15], $0x4000  }
0x75: {  	[sflag:s15] =	ssyncset.done $0x0  }
0x76: {  	[sflag:s15] =	ssyncadd.s32 $0xFFFFC000  }
0x77: {  	_ =	swait.ge [sflag:s21], $0x4000  }
0x78: {  	[sflag:s21] =	ssyncset.done $0x0  }
0x79: {  	[sflag:s21] =	ssyncadd.s32 $0xFFFFC000  }
0x7a: {  	[spmem:s1] =	stream.indirect.scatter.add.f32 [tilespmem:s18], [sflag:$0x3], $0x80, s7, s17, $0x2000b8;
	[tilespmem:$0x1C800] =	vst v63  }
0x7b: {  	_ =	swait.ge [sflag:s15], $0x4000  }
0x7c: {  	s10 =	simm.s32 $0x100;
	s9 =	simm.s32 $0x80;
	[sflag:s15] =	ssyncset.done $0x0  }
.LBB2_2:
0x7d: {  	s24 =	sadd.s32 s9, s13  }
0x7e: {  	[sflag:s15] =	ssyncadd.s32 $0xFFFFC000;
	s6 =	smov.u32 s10;
	s11 =	sadd.s32 $0x80, s10  }
0x7f: {  	[tilespmem:s2], [sflag:$0x3] =	stream.linear.gather [hbm4b:s24+s2], $0x400, $0x200038;
	[tilespmem:$0x1C800] =	vst v63  }
0x80: {  	p0 =	sne.s32 s10, $0x480;
	_ =	swait.ge [sflag:s15], $0x400  }
0x81: {  	[sflag:s15] =	ssyncset.done $0x0  }
0x82: {  	s10 =	sadd.s32 s9, s12;
	s9 =	smov.u32 s6;
	[sflag:s15] =	ssyncadd.s32 $0xFFFFFC00  }
0x83: {  	[tilespmem:s16], [sflag:$0x3] =	stream.linear.gather [hbm4b:s10+s2], $0x400, $0x200038;
	[tilespmem:$0x1C800] =	vst v63  }
0x84: {  	_ =	swait.ge [sflag:s15], $0x400  }
0x85: {  	[sflag:s15] =	ssyncset.done $0x0  }
0x86: {  	[sflag:s15] =	ssyncadd.s32 $0xFFFFFC00  }
0x87: {  	[tilespmem:s14], [sflag:$0x1] =	stream.indirect.gather [hbm4b:s4+s17], $0x80, s2, s17, $0x2000b8;
	[tilespmem:$0x1C800] =	vst v63  }
0x88: {  	_ = 	snop  }
0x89: {  	[tilespmem:s18], [sflag:$0x2] =	stream.indirect.gather [hbm4b:s4+s17], $0x80, s17, s17, $0x2000b8;
	[tilespmem:$0x1C800] =	vst v63  }
0x8a: {  	_ =	swait.ge [sflag:s19], $0x4000  }
0x8b: {  	[sflag:s19] =	ssyncset.done $0x0  }
0x8c: {  	[sflag:s19] =	ssyncadd.s32 $0xFFFFC000  }
0x8d: {  	[spmem:s1] =	stream.indirect.scatter.add.f32 [tilespmem:s14], [sflag:$0x3], $0x80, s16, s17, $0x2000b8;
	[tilespmem:$0x1C800] =	vst v63  }
0x8e: {  	_ =	swait.ge [sflag:s15], $0x4000  }
0x8f: {  	[sflag:s15] =	ssyncset.done $0x0  }
0x90: {  	[sflag:s15] =	ssyncadd.s32 $0xFFFFC000  }
0x91: {  	[tilespmem:s14], [sflag:$0x1] =	stream.indirect.gather [hbm4b:s4+s17], $0x80, s20, s17, $0x2000b8;
	[tilespmem:$0x1C800] =	vst v63  }
0x92: {  	_ =	swait.ge [sflag:s21], $0x4000  }
0x93: {  	[sflag:s21] =	ssyncset.done $0x0  }
0x94: {  	[sflag:s21] =	ssyncadd.s32 $0xFFFFC000  }
0x95: {  	[spmem:s1] =	stream.indirect.scatter.add.f32 [tilespmem:s18], [sflag:$0x3], $0x80, s22, s17, $0x2000b8;
	[tilespmem:$0x1C800] =	vst v63  }
0x96: {  	_ =	swait.ge [sflag:s15], $0x4000  }
0x97: {  	[sflag:s15] =	ssyncset.done $0x0  }
0x98: {  	[sflag:s15] =	ssyncadd.s32 $0xFFFFC000  }
0x99: {  	[tilespmem:s18], [sflag:$0x2] =	stream.indirect.gather [hbm4b:s4+s17], $0x80, s23, s17, $0x2000b8;
	[tilespmem:$0x1C800] =	vst v63  }
0x9a: {  	_ =	swait.ge [sflag:s19], $0x4000  }
0x9b: {  	[sflag:s19] =	ssyncset.done $0x0  }
0x9c: {  	[sflag:s19] =	ssyncadd.s32 $0xFFFFC000  }
0x9d: {  	[spmem:s1] =	stream.indirect.scatter.add.f32 [tilespmem:s14], [sflag:$0x3], $0x80, s25, s17, $0x2000b8;
	[tilespmem:$0x1C800] =	vst v63  }
0x9e: {  	_ =	swait.ge [sflag:s15], $0x4000  }
0x9f: {  	[sflag:s15] =	ssyncset.done $0x0  }
0xa0: {  	[sflag:s15] =	ssyncadd.s32 $0xFFFFC000  }
0xa1: {  	[tilespmem:s14], [sflag:$0x1] =	stream.indirect.gather [hbm4b:s4+s17], $0x80, s26, s17, $0x2000b8;
	[tilespmem:$0x1C800] =	vst v63  }
0xa2: {  	_ =	swait.ge [sflag:s21], $0x4000  }
0xa3: {  	[sflag:s21] =	ssyncset.done $0x0  }
0xa4: {  	[sflag:s21] =	ssyncadd.s32 $0xFFFFC000  }
0xa5: {  	[spmem:s1] =	stream.indirect.scatter.add.f32 [tilespmem:s18], [sflag:$0x3], $0x80, s28, s17, $0x2000b8;
	[tilespmem:$0x1C800] =	vst v63  }
0xa6: {  	_ =	swait.ge [sflag:s15], $0x4000  }
0xa7: {  	[sflag:s15] =	ssyncset.done $0x0  }
0xa8: {  	[sflag:s15] =	ssyncadd.s32 $0xFFFFC000  }
0xa9: {  	[tilespmem:s18], [sflag:$0x2] =	stream.indirect.gather [hbm4b:s4+s17], $0x80, s29, s17, $0x2000b8;
	[tilespmem:$0x1C800] =	vst v63  }
0xaa: {  	_ =	swait.ge [sflag:s19], $0x4000  }
0xab: {  	[sflag:s19] =	ssyncset.done $0x0  }
0xac: {  	[sflag:s19] =	ssyncadd.s32 $0xFFFFC000  }
0xad: {  	[spmem:s1] =	stream.indirect.scatter.add.f32 [tilespmem:s14], [sflag:$0x3], $0x80, s30, s17, $0x2000b8;
	[tilespmem:$0x1C800] =	vst v63  }
0xae: {  	_ =	swait.ge [sflag:s15], $0x4000  }
0xaf: {  	[sflag:s15] =	ssyncset.done $0x0  }
0xb0: {  	[sflag:s15] =	ssyncadd.s32 $0xFFFFC000  }
0xb1: {  	[tilespmem:s14], [sflag:$0x1] =	stream.indirect.gather [hbm4b:s4+s17], $0x80, s31, s17, $0x2000b8;
	[tilespmem:$0x1C800] =	vst v63  }
0xb2: {  	_ =	swait.ge [sflag:s21], $0x4000  }
0xb3: {  	[sflag:s21] =	ssyncset.done $0x0  }
0xb4: {  	[sflag:s21] =	ssyncadd.s32 $0xFFFFC000  }
0xb5: {  	[spmem:s1] =	stream.indirect.scatter.add.f32 [tilespmem:s18], [sflag:$0x3], $0x80, s0, s17, $0x2000b8;
	[tilespmem:$0x1C800] =	vst v63  }
0xb6: {  	_ =	swait.ge [sflag:s15], $0x4000  }
0xb7: {  	[sflag:s15] =	ssyncset.done $0x0  }
0xb8: {  	[sflag:s15] =	ssyncadd.s32 $0xFFFFC000  }
0xb9: {  	[tilespmem:s18], [sflag:$0x2] =	stream.indirect.gather [hbm4b:s4+s17], $0x80, s3, s17, $0x2000b8;
	[tilespmem:$0x1C800] =	vst v63  }
0xba: {  	_ =	swait.ge [sflag:s19], $0x4000  }
0xbb: {  	[sflag:s19] =	ssyncset.done $0x0  }
0xbc: {  	[sflag:s19] =	ssyncadd.s32 $0xFFFFC000  }
0xbd: {  	[spmem:s1] =	stream.indirect.scatter.add.f32 [tilespmem:s14], [sflag:$0x3], $0x80, s5, s17, $0x2000b8;
	[tilespmem:$0x1C800] =	vst v63  }
0xbe: {  	_ =	swait.ge [sflag:s15], $0x4000  }
0xbf: {  	[sflag:s15] =	ssyncset.done $0x0  }
0xc0: {  	[sflag:s15] =	ssyncadd.s32 $0xFFFFC000  }
0xc1: {  	_ =	swait.ge [sflag:s21], $0x4000  }
.Ltmp0:
0xc2: {  	[sflag:s21] =	ssyncset.done $0x0;
	(pc) =	sbr.rel @p0 .LBB2_2-.Ltmp0, $4  }
0xc3: {  	[sflag:s21] =	ssyncadd.s32 $0xFFFFC000  }
0xc4: {  	[spmem:s1] =	stream.indirect.scatter.add.f32 [tilespmem:s18], [sflag:$0x3], $0x80, s7, s17, $0x2000b8;
	[tilespmem:$0x1C800] =	vst v63  }
0xc5: {  	_ =	swait.ge [sflag:s15], $0x4000  }
0xc6: {  	s10 =	smov.u32 s11;
	[sflag:s15] =	ssyncset.done $0x0  }
0xc7: {  	s6 =	sadd.s32 s9, s13;
	[sflag:s15] =	ssyncadd.s32 $0xFFFFC000  }
0xc8: {  	[tilespmem:s2], [sflag:$0x3] =	stream.linear.gather [hbm4b:s6+s2], $0x400, $0x200038;
	[tilespmem:$0x1C800] =	vst v63  }
0xc9: {  	_ =	swait.ge [sflag:s15], $0x400  }
0xca: {  	[sflag:s15] =	ssyncset.done $0x0  }
0xcb: {  	s10 =	sadd.s32 s9, s12;
	[sflag:s15] =	ssyncadd.s32 $0xFFFFFC00  }
0xcc: {  	[tilespmem:s16], [sflag:$0x3] =	stream.linear.gather [hbm4b:s10+s2], $0x400, $0x200038;
	[tilespmem:$0x1C800] =	vst v63  }
0xcd: {  	_ =	swait.ge [sflag:s15], $0x400  }
0xce: {  	[sflag:s15] =	ssyncset.done $0x0  }
0xcf: {  	[sflag:s15] =	ssyncadd.s32 $0xFFFFFC00  }
0xd0: {  	[tilespmem:s14], [sflag:$0x1] =	stream.indirect.gather [hbm4b:s4+s17], $0x80, s2, s17, $0x2000b8;
	[tilespmem:$0x1C800] =	vst v63  }
0xd1: {  	_ = 	snop  }
0xd2: {  	[tilespmem:s18], [sflag:$0x2] =	stream.indirect.gather [hbm4b:s4+s17], $0x80, s17, s17, $0x2000b8;
	[tilespmem:$0x1C800] =	vst v63  }
0xd3: {  	_ =	swait.ge [sflag:s19], $0x4000  }
0xd4: {  	[sflag:s19] =	ssyncset.done $0x0  }
0xd5: {  	[sflag:s19] =	ssyncadd.s32 $0xFFFFC000  }
0xd6: {  	[spmem:s1] =	stream.indirect.scatter.add.f32 [tilespmem:s14], [sflag:$0x3], $0x80, s16, s17, $0x2000b8;
	[tilespmem:$0x1C800] =	vst v63  }
0xd7: {  	_ =	swait.ge [sflag:s15], $0x4000  }
0xd8: {  	[sflag:s15] =	ssyncset.done $0x0  }
0xd9: {  	[sflag:s15] =	ssyncadd.s32 $0xFFFFC000  }
0xda: {  	[tilespmem:s14], [sflag:$0x1] =	stream.indirect.gather [hbm4b:s4+s17], $0x80, s20, s17, $0x2000b8;
	[tilespmem:$0x1C800] =	vst v63  }
0xdb: {  	_ =	swait.ge [sflag:s21], $0x4000  }
0xdc: {  	[sflag:s21] =	ssyncset.done $0x0  }
0xdd: {  	[sflag:s21] =	ssyncadd.s32 $0xFFFFC000  }
0xde: {  	[spmem:s1] =	stream.indirect.scatter.add.f32 [tilespmem:s18], [sflag:$0x3], $0x80, s22, s17, $0x2000b8;
	[tilespmem:$0x1C800] =	vst v63  }
0xdf: {  	_ =	swait.ge [sflag:s15], $0x4000  }
0xe0: {  	[sflag:s15] =	ssyncset.done $0x0  }
0xe1: {  	[sflag:s15] =	ssyncadd.s32 $0xFFFFC000  }
0xe2: {  	[tilespmem:s18], [sflag:$0x2] =	stream.indirect.gather [hbm4b:s4+s17], $0x80, s23, s17, $0x2000b8;
	[tilespmem:$0x1C800] =	vst v63  }
0xe3: {  	_ =	swait.ge [sflag:s19], $0x4000  }
0xe4: {  	[sflag:s19] =	ssyncset.done $0x0  }
0xe5: {  	[sflag:s19] =	ssyncadd.s32 $0xFFFFC000  }
0xe6: {  	[spmem:s1] =	stream.indirect.scatter.add.f32 [tilespmem:s14], [sflag:$0x3], $0x80, s25, s17, $0x2000b8;
	[tilespmem:$0x1C800] =	vst v63  }
0xe7: {  	_ =	swait.ge [sflag:s15], $0x4000  }
0xe8: {  	[sflag:s15] =	ssyncset.done $0x0  }
0xe9: {  	[sflag:s15] =	ssyncadd.s32 $0xFFFFC000  }
0xea: {  	[tilespmem:s14], [sflag:$0x1] =	stream.indirect.gather [hbm4b:s4+s17], $0x80, s26, s17, $0x2000b8;
	[tilespmem:$0x1C800] =	vst v63  }
0xeb: {  	_ =	swait.ge [sflag:s21], $0x4000  }
0xec: {  	[sflag:s21] =	ssyncset.done $0x0  }
0xed: {  	[sflag:s21] =	ssyncadd.s32 $0xFFFFC000  }
0xee: {  	[spmem:s1] =	stream.indirect.scatter.add.f32 [tilespmem:s18], [sflag:$0x3], $0x80, s28, s17, $0x2000b8;
	[tilespmem:$0x1C800] =	vst v63  }
0xef: {  	_ =	swait.ge [sflag:s15], $0x4000  }
0xf0: {  	[sflag:s15] =	ssyncset.done $0x0  }
0xf1: {  	[sflag:s15] =	ssyncadd.s32 $0xFFFFC000  }
0xf2: {  	[tilespmem:s18], [sflag:$0x2] =	stream.indirect.gather [hbm4b:s4+s17], $0x80, s29, s17, $0x2000b8;
	[tilespmem:$0x1C800] =	vst v63  }
0xf3: {  	_ =	swait.ge [sflag:s19], $0x4000  }
0xf4: {  	[sflag:s19] =	ssyncset.done $0x0  }
0xf5: {  	[sflag:s19] =	ssyncadd.s32 $0xFFFFC000  }
0xf6: {  	[spmem:s1] =	stream.indirect.scatter.add.f32 [tilespmem:s14], [sflag:$0x3], $0x80, s30, s17, $0x2000b8;
	[tilespmem:$0x1C800] =	vst v63  }
0xf7: {  	_ =	swait.ge [sflag:s15], $0x4000  }
0xf8: {  	[sflag:s15] =	ssyncset.done $0x0  }
0xf9: {  	[sflag:s15] =	ssyncadd.s32 $0xFFFFC000  }
0xfa: {  	[tilespmem:s14], [sflag:$0x1] =	stream.indirect.gather [hbm4b:s4+s17], $0x80, s31, s17, $0x2000b8;
	[tilespmem:$0x1C800] =	vst v63  }
0xfb: {  	_ =	swait.ge [sflag:s21], $0x4000  }
0xfc: {  	[sflag:s21] =	ssyncset.done $0x0  }
0xfd: {  	[sflag:s21] =	ssyncadd.s32 $0xFFFFC000  }
0xfe: {  	[spmem:s1] =	stream.indirect.scatter.add.f32 [tilespmem:s18], [sflag:$0x3], $0x80, s0, s17, $0x2000b8;
	[tilespmem:$0x1C800] =	vst v63  }
0xff: {  	_ =	swait.ge [sflag:s15], $0x4000  }
0x100: {  	[sflag:s15] =	ssyncset.done $0x0  }
0x101: {  	[sflag:s15] =	ssyncadd.s32 $0xFFFFC000  }
0x102: {  	[tilespmem:s18], [sflag:$0x2] =	stream.indirect.gather [hbm4b:s4+s17], $0x80, s3, s17, $0x2000b8;
	[tilespmem:$0x1C800] =	vst v63  }
0x103: {  	_ =	swait.ge [sflag:s19], $0x4000  }
0x104: {  	[sflag:s19] =	ssyncset.done $0x0  }
0x105: {  	[sflag:s19] =	ssyncadd.s32 $0xFFFFC000  }
0x106: {  	[spmem:s1] =	stream.indirect.scatter.add.f32 [tilespmem:s14], [sflag:$0x3], $0x80, s5, s17, $0x2000b8;
	[tilespmem:$0x1C800] =	vst v63  }
0x107: {  	_ =	swait.ge [sflag:s15], $0x4000  }
0x108: {  	[sflag:s15] =	ssyncset.done $0x0  }
0x109: {  	[sflag:s15] =	ssyncadd.s32 $0xFFFFC000  }
0x10a: {  	_ =	swait.ge [sflag:s21], $0x4000  }
0x10b: {  	[sflag:s21] =	ssyncset.done $0x0  }
0x10c: {  	[sflag:s21] =	ssyncadd.s32 $0xFFFFC000  }
0x10d: {  	[spmem:s1] =	stream.indirect.scatter.add.f32 [tilespmem:s18], [sflag:$0x3], $0x80, s7, s17, $0x2000b8;
	[tilespmem:$0x1C800] =	vst v63  }
0x10e: {  	_ =	swait.ge [sflag:s15], $0x4000  }
0x10f: {  	[sflag:s15] =	ssyncset.done $0x0  }
0x110: {  	[sflag:s15] =	ssyncadd.s32 $0xFFFFC000  }
0x111: {  	_ =	strace $0x9000004F  }
0x112: {  	[bflag:$0x0] =	sbarrier.arrive $0xFFFF  }
0x113: {  	s11 =	stileid.u32;
	_ =	strace $0x80000050  }
0x114: {  	s6 =	sshll.u32 s11, $0x6;
	s11 =	rddreg [dreg:$0x5]  }
0x115: {  	s6 =	sor.u32 $0x1C03, s6;
	s10 =	rddreg [dreg:$0xb];
	s24 =	sshrl.u32 s11, $0x3  }
0x116: {  	[hbm:s10], [sflag:s6] =	dma.local [spmem:s24], $0x2800  }
0x117: {  	_ =	swait.ge [sflag:s15], $0x2800  }
0x118: {  	s8 =	sadd.s32 $0x1, s8;
	s24 =	rddreg [dreg:$0x6]  }
0x119: {  	p0 =	sne.s32 s8, s24  }
.Ltmp1:
0x11a: {  	_ = 	snop;
	(pc) =	sbr.rel @p0 .LBB2_1-.Ltmp1, $4  }
0x11b: {  	_ = 	snop  }
0x11c: {  	[sflag:s15] =	ssyncset.done $0x0  }
0x11d: {  	[sflag:s15] =	ssyncadd.s32 $0xFFFFD800  }
0x11e: {  	_ =	strace $0x90000050  }
0x11f: {  	_ =	sfence.sel $0x180000  }
0x120: {  	[bflag:$0x0] =	sbarrier.arrive $0xFFFF  }
0x121: {  	_ =	strace $0x9000004D  }
0x122: {  	s0 =	stileid.u32;
	[bflag:$0x2] =	sbarrier.arrive $0xFFFF  }
0x123: {  	p0 =	sne.s32 s0, $0x0;
	s0 =	rddreg [dreg:$0x3]  }
0x124: {  	s0 =	sadd.s32 @!p0 $0x100000, s0  }
0x125: {  	[sflag:s0] =	ssyncadd.tile.s32 @!p0 $0x1;
	_ =	shalt  }
.Lfunc_end2:
_tile_overlayer_lowered:
.L_overlay_start_2:
0x126: {  	(tag) =	ssettag $0x2  }
0x127: {  	s0 =	rddreg [dreg:$0x0];
	s2 =	stileid.u32  }
0x128: {  	s1 =	rddreg [dreg:$0x1];
	p0 =	sne.s32 s2, $0x0  }
0x129: {  	s3 =	rddreg [dreg:$0x2];
	[bflag:$0x3] =	sbarrier.arrive $0xFFFF;
	s2 =	simm.s32 @!p0 $0x1C03  }
0x12a: {  	[timem:s3], [sflag:s2] =	dma.local @!p0 [hbm:s0], s1  }
0x12b: {  	s0 =	simm.s32 @!p0 $0x3  }
0x12c: {  	_ =	swait.ge @!p0 [sflag:s0], s1  }
0x12d: {  	s1 =	ssub.s32 @!p0 $0x0, s1;
	[sflag:s0] =	ssyncset.done @!p0 $0x0  }
0x12e: {  	[sflag:s0] =	ssyncadd.s32 @!p0 s1  }
0x12f: {  	[bflag:$0x3] =	sbarrier.arrive $0xFFFF  }
0x130: {  	_ =	shalt  }

</sc_bundles>
